<compile_context>
chip_gen: v7x
topology: tpu7x:2x2x1
jax: 0.10.2.dev20260603
libtpu: 0.0.44.dev20260713+nightly
codegen_flags: <defaults>
</compile_context>

<pallas_src>
import jax
import jax.numpy as jnp
from jax import lax
from jax.experimental import pallas as pl
from jax.experimental.pallas import tpu as pltpu
from jax.experimental.pallas import tpu_sc as plsc

KNN = 40
EPS = 1e-5
NEG_SLOPE = 0.2
N = 1024
B = 8
NWORK = 32
PPW = (B * N) // NWORK
OPAD = 128



def _dist_and_thresh(xb):
    G = lax.dot_general(xb, xb, (((1,), (1,)), ((), ())),
                        preferred_element_type=jnp.float32)
    xsq = jnp.sum(xb * xb, axis=1)
    inner = -2.0 * G
    D = ((-xsq)[:, None] - inner) - xsq[None, :]

    bits = lax.bitcast_convert_type(D, jnp.uint32)
    keys = jnp.where(bits >= jnp.uint32(0x80000000), ~bits,
                     bits | jnp.uint32(0x80000000))
    keysT = keys.T

    def body(i, prefix):
        bit = (jnp.uint32(31) - i.astype(jnp.uint32))
        cand = prefix | (jnp.uint32(1) << bit)
        cnt = jnp.sum((keysT >= cand[None, :]).astype(jnp.int32), axis=0)
        return jnp.where(cnt >= KNN, cand, prefix)

    prefix = lax.fori_loop(0, 32, body, jnp.zeros((N,), jnp.uint32))
    fb = jnp.where(prefix >= jnp.uint32(0x80000000),
                   prefix ^ jnp.uint32(0x80000000), ~prefix)
    thr = lax.bitcast_convert_type(fb, jnp.float32)
    return D - thr[:, None]


def _dist_x_kernel(x_ref, d_ref, xp_ref):
    xb = x_ref[0]
    d_ref[0] = _dist_and_thresh(xb)
    C = xb.shape[1]
    xp_ref[0] = jnp.concatenate(
        [xb, jnp.zeros((N, OPAD - C), jnp.float32)], axis=-1)


def _dist_kernel(x_ref, d_ref):
    xb = x_ref[0]
    d_ref[0] = _dist_and_thresh(xb)


def _run_dist_x(x):
    Cin = x.shape[-1]
    return pl.pallas_call(
        _dist_x_kernel,
        grid=(B,),
        in_specs=[pl.BlockSpec((1, N, Cin), lambda b: (b, 0, 0))],
        out_specs=[
            pl.BlockSpec((1, N, N), lambda b: (b, 0, 0)),
            pl.BlockSpec((1, N, OPAD), lambda b: (b, 0, 0)),
        ],
        out_shape=[
            jax.ShapeDtypeStruct((B, N, N), jnp.float32),
            jax.ShapeDtypeStruct((B, N, OPAD), jnp.float32),
        ],
    )(x)


def _run_dist(x):
    Cin = x.shape[-1]
    return pl.pallas_call(
        _dist_kernel,
        grid=(B,),
        in_specs=[pl.BlockSpec((1, N, Cin), lambda b: (b, 0, 0))],
        out_specs=pl.BlockSpec((1, N, N), lambda b: (b, 0, 0)),
        out_shape=jax.ShapeDtypeStruct((B, N, N), jnp.float32),
    )(x)



def _sc_compact(drow, selbuf, colbase, iota16, nchunks):
    def gt_body(j, off):
        d = drow[pl.ds(j * 16, 16)]
        m = d > 0.0
        idxv = (colbase + j * 16) + iota16
        plsc.store_compressed(selbuf.at[pl.ds(off, 16)], idxv, mask=m)
        return off + jnp.sum(m.astype(jnp.int32))

    off_gt = lax.fori_loop(0, nchunks, gt_body, jnp.int32(0))

    def eq_cond(c):
        j, off = c
        return jnp.logical_and(j < nchunks, off < KNN)

    def eq_body(c):
        j, off = c
        d = drow[pl.ds(j * 16, 16)]
        m = d == 0.0
        pos = jnp.full((16,), off, jnp.int32) \
            + plsc.cumsum(m.astype(jnp.int32)) - 1
        mc = jnp.logical_and(m, pos < KNN)
        idxv = (colbase + j * 16) + iota16
        plsc.store_compressed(selbuf.at[pl.ds(off, 16)], idxv, mask=mc)
        return j + 1, off + jnp.sum(mc.astype(jnp.int32))

    lax.while_loop(eq_cond, eq_body, (jnp.int32(0), off_gt))


def _pipelined_points2(d_hbm, drow0, drow1, sem0, sem1, base,
                       process_even, process_odd):
    pltpu.async_copy(d_hbm.at[base], drow0, sem0)

    def pair_body(i, carry):
        p0 = 2 * i
        pltpu.make_async_copy(d_hbm.at[base], drow0, sem0).wait()
        pltpu.async_copy(d_hbm.at[base + p0 + 1], drow1, sem1)
        process_even(drow0, p0)
        pltpu.make_async_copy(d_hbm.at[base], drow1, sem1).wait()
        nxt = jnp.minimum(base + p0 + 2, B * N - 1)
        pltpu.async_copy(d_hbm.at[nxt], drow0, sem0)
        process_odd(drow1, p0 + 1)
        return carry

    lax.fori_loop(0, PPW // 2, pair_body, 0)
    pltpu.make_async_copy(d_hbm.at[base], drow0, sem0).wait()


def _pipelined_points(d_hbm, drow0, drow1, sem0, sem1, base, process):
    _pipelined_points2(d_hbm, drow0, drow1, sem0, sem1, base,
                       process, process)


def _sc_gather_rows(d_hbm, x_hbm, out_hbm, drow0, drow1, selbuf, rows,
                    outpA, outpB, sem0, sem1, gsem, osemA, osemB):
    wid = lax.axis_index("s") * 2 + lax.axis_index("c")
    base = wid * PPW
    colbase = (base // N) * N
    iota16 = lax.iota(jnp.int32, 16)
    nchunks = N // 16

    def make_process(outp, osem):
        def process(drow, p):
            _sc_compact(drow, selbuf, colbase, iota16, nchunks)
            pltpu.async_copy(x_hbm.at[selbuf.at[pl.ds(0, KNN)]], rows,
                             gsem).wait()

            @pl.when(p >= 2)
            def _():
                pltpu.make_async_copy(outp, out_hbm.at[pl.ds(0, KNN)],
                                      osem).wait()

            def copy_body(k, c):
                outp[k] = rows[k, pl.ds(0, 16)]
                return c

            lax.fori_loop(0, KNN, copy_body, 0)
            pltpu.async_copy(outp,
                             out_hbm.at[pl.ds((base + p) * KNN, KNN)],
                             osem)
        return process

    procA = make_process(outpA, osemA)
    procB = make_process(outpB, osemB)
    _pipelined_points2(d_hbm, drow0, drow1, sem0, sem1, base, procA, procB)
    pltpu.make_async_copy(outpA, out_hbm.at[pl.ds(0, KNN)], osemA).wait()
    pltpu.make_async_copy(outpB, out_hbm.at[pl.ds(0, KNN)], osemB).wait()


def _run_sc_gather_rows(d_flat, xpad):
    mesh = plsc.VectorSubcoreMesh(core_axis_name="c", subcore_axis_name="s",
                                  num_cores=2, num_subcores=16)
    kfn = pl.kernel(
        _sc_gather_rows,
        out_type=jax.ShapeDtypeStruct((B * N * KNN, 16), jnp.float32),
        mesh=mesh,
        scratch_types=[
            pltpu.VMEM((N,), jnp.float32),
            pltpu.VMEM((N,), jnp.float32),
            pltpu.VMEM((KNN + 16,), jnp.int32),
            pltpu.VMEM((KNN, OPAD), jnp.float32),
            pltpu.VMEM((KNN, 16), jnp.float32),
            pltpu.VMEM((KNN, 16), jnp.float32),
            pltpu.SemaphoreType.DMA,
            pltpu.SemaphoreType.DMA,
            pltpu.SemaphoreType.DMA,
            pltpu.SemaphoreType.DMA,
            pltpu.SemaphoreType.DMA,
        ],
        compiler_params=pltpu.CompilerParams(needs_layout_passes=False),
    )
    return kfn(d_flat, xpad)


def _sc_gather_reduce(d_hbm, u_hbm, out_hbm,
                      drow0, drow1, selbuf, rows, outbuf,
                      sem0, sem1, gsem):
    wid = lax.axis_index("s") * 2 + lax.axis_index("c")
    base = wid * PPW
    colbase = (base // N) * N
    iota16 = lax.iota(jnp.int32, 16)
    nchunks = N // 16

    def process(drow, p):
        _sc_compact(drow, selbuf, colbase, iota16, nchunks)

        pltpu.async_copy(u_hbm.at[selbuf.at[pl.ds(0, KNN)]], rows,
                         gsem).wait()

        ninf = jnp.full((16,), -jnp.inf, jnp.float32)
        pinf = jnp.full((16,), jnp.inf, jnp.float32)
        zero = jnp.zeros((16,), jnp.float32)
        acc0 = (ninf, ninf, ninf, ninf, pinf, pinf, pinf, pinf,
                zero, zero, zero, zero, zero, zero, zero, zero)

        def red_body(k, acc):
            out = list(acc)
            for c in range(4):
                rv = rows[k, pl.ds(c * 16, 16)]
                out[c] = jnp.maximum(out[c], rv)
                out[4 + c] = jnp.minimum(out[4 + c], rv)
                out[8 + c] = out[8 + c] + rv
                out[12 + c] = out[12 + c] + rv * rv
            return tuple(out)

        acc = lax.fori_loop(0, KNN, red_body, acc0)
        for c in range(4):
            outbuf[p, pl.ds(c * 16, 16)] = acc[c]
            outbuf[p, pl.ds(64 + c * 16, 16)] = acc[4 + c]
            outbuf[p, pl.ds(128 + c * 16, 16)] = acc[8 + c]
            outbuf[p, pl.ds(192 + c * 16, 16)] = acc[12 + c]

    _pipelined_points(d_hbm, drow0, drow1, sem0, sem1, base, process)
    pltpu.sync_copy(outbuf, out_hbm.at[pl.ds(base, PPW)])


def _run_sc_gather(d_flat, u_flat, O=64):
    mesh = plsc.VectorSubcoreMesh(core_axis_name="c", subcore_axis_name="s",
                                  num_cores=2, num_subcores=16)
    kfn = pl.kernel(
        _sc_gather_reduce,
        out_type=jax.ShapeDtypeStruct((B * N, 4 * O), jnp.float32),
        mesh=mesh,
        scratch_types=[
            pltpu.VMEM((N,), jnp.float32),
            pltpu.VMEM((N,), jnp.float32),
            pltpu.VMEM((KNN + 16,), jnp.int32),
            pltpu.VMEM((KNN, OPAD), jnp.float32),
            pltpu.VMEM((PPW, 4 * O), jnp.float32),
            pltpu.SemaphoreType.DMA,
            pltpu.SemaphoreType.DMA,
            pltpu.SemaphoreType.DMA,
        ],
        compiler_params=pltpu.CompilerParams(needs_layout_passes=False),
    )
    return kfn(d_flat, u_flat)



PB = 64
NBLK = (B * N) // PB


def _edgey_kernel(xg_ref, xf_ref, w_ref, ymax_ref, ymin_ref,
                  psum_ref, psq_ref):
    C = xf_ref.shape[-1]
    xj = xg_ref[:, 0:C]
    xn = jnp.broadcast_to(xf_ref[...][:, None, :],
                          (PB, KNN, C)).reshape(PB * KNN, C)
    edge = jnp.concatenate([xj - xn, xn], axis=-1)
    y = lax.dot_general(edge, w_ref[...], (((1,), (1,)), ((), ())),
                        preferred_element_type=jnp.float32)
    O = y.shape[-1]
    y3 = y.reshape(PB, KNN, O)
    ymax_ref[...] = jnp.max(y3, axis=1)
    ymin_ref[...] = jnp.min(y3, axis=1)
    psum_ref[...] = jnp.sum(y, axis=0)[None, None]
    psq_ref[...] = jnp.sum(y * y, axis=0)[None, None]


def _run_edgey(xg, x_flat, W):
    C = x_flat.shape[-1]
    O = W.shape[0]
    return pl.pallas_call(
        _edgey_kernel,
        grid=(NBLK,),
        in_specs=[
            pl.BlockSpec((PB * KNN, 16), lambda i: (i, 0)),
            pl.BlockSpec((PB, C), lambda i: (i, 0)),
            pl.BlockSpec(W.shape, lambda i: (0, 0)),
        ],
        out_specs=[
            pl.BlockSpec((PB, O), lambda i: (i, 0)),
            pl.BlockSpec((PB, O), lambda i: (i, 0)),
            pl.BlockSpec((1, 1, O), lambda i: (i, 0, 0)),
            pl.BlockSpec((1, 1, O), lambda i: (i, 0, 0)),
        ],
        out_shape=[
            jax.ShapeDtypeStruct((B * N, O), jnp.float32),
            jax.ShapeDtypeStruct((B * N, O), jnp.float32),
            jax.ShapeDtypeStruct((NBLK, 1, O), jnp.float32),
            jax.ShapeDtypeStruct((NBLK, 1, O), jnp.float32),
        ],
    )(xg, x_flat, W)



def _bn_finalize_kernel(ymax_ref, ymin_ref, psum_ref, psq_ref,
                        g_ref, be_ref, w2_ref, h1_ref, u2_ref, v2_ref):
    denom = float(B * N * KNN)
    mean = jnp.sum(psum_ref[...][:, 0, :], axis=0) / denom
    ey2 = jnp.sum(psq_ref[...][:, 0, :], axis=0) / denom
    var = ey2 - mean * mean
    s = jnp.sqrt(var + EPS)
    g = g_ref[...]
    be = be_ref[...]
    M = jnp.where((g >= 0)[None, :], ymax_ref[...], ymin_ref[...])
    yn = (g[None, :] * (M - mean[None, :])) / s[None, :] + be[None, :]
    h1 = jnp.where(yn >= 0, yn, NEG_SLOPE * yn)
    h1_ref[...] = h1
    C = h1.shape[-1]
    wd = w2_ref[:, :C]
    wc = w2_ref[:, C:]
    u2 = lax.dot_general(h1, wd, (((1,), (1,)), ((), ())),
                         preferred_element_type=jnp.float32)
    O2 = u2.shape[-1]
    u2_ref[...] = jnp.concatenate(
        [u2, jnp.zeros((B * N, OPAD - O2), jnp.float32)], axis=-1)
    v2_ref[...] = lax.dot_general(h1, wc - wd, (((1,), (1,)), ((), ())),
                                  preferred_element_type=jnp.float32)


def _run_bn_finalize(ymax, ymin, psum, psq, g, be, W2):
    O = ymax.shape[-1]
    O2 = W2.shape[0]
    return pl.pallas_call(
        _bn_finalize_kernel,
        out_shape=[
            jax.ShapeDtypeStruct((B * N, O), jnp.float32),
            jax.ShapeDtypeStruct((B * N, OPAD), jnp.float32),
            jax.ShapeDtypeStruct((B * N, O2), jnp.float32),
        ],
    )(ymax, ymin, psum, psq, g, be, W2)



def _bn_stats_kernel(gstats_ref, vv_ref, mean_ref, rstd_ref):
    O = vv_ref.shape[-1]
    gsum = gstats_ref[:, 2 * O:3 * O]
    gsq = gstats_ref[:, 3 * O:4 * O]
    v = vv_ref[...]
    denom = float(B * N * KNN)
    mean = (jnp.sum(gsum, axis=0) + KNN * jnp.sum(v, axis=0)) / denom
    ey2 = (jnp.sum(gsq, axis=0) + 2.0 * jnp.sum(v * gsum, axis=0)
           + KNN * jnp.sum(v * v, axis=0)) / denom
    var = ey2 - mean * mean
    mean_ref[...] = mean
    rstd_ref[...] = lax.rsqrt(var + EPS)


def _run_bn_stats(gstats, v_flat):
    O = v_flat.shape[-1]
    return pl.pallas_call(
        _bn_stats_kernel,
        out_shape=[
            jax.ShapeDtypeStruct((O,), jnp.float32),
            jax.ShapeDtypeStruct((O,), jnp.float32),
        ],
    )(gstats, v_flat)



def _final_kernel(h1_ref, gstats_ref, v2_ref, mean_ref, rstd_ref,
                  g_ref, be_ref, wf_ref, bf_ref, out_ref):
    O = v2_ref.shape[-1]
    gmax = gstats_ref[0, :, 0:O]
    gmin = gstats_ref[0, :, O:2 * O]
    v = v2_ref[0]
    g = g_ref[...]
    be = be_ref[...]
    M = jnp.where((g >= 0)[None, :], gmax + v, gmin + v)
    yn = g[None, :] * (M - mean_ref[...][None, :]) * rstd_ref[...][None, :] \
        + be[None, :]
    h2 = jnp.where(yn >= 0, yn, NEG_SLOPE * yn)
    hcat = jnp.concatenate([h1_ref[0], h2], axis=-1)
    o = jnp.dot(hcat, wf_ref[...], preferred_element_type=jnp.float32)
    o = o + bf_ref[...][None, :]
    out_ref[0, 0] = jnp.max(o, axis=0)


def _run_final(h1, gstats2, v2, mean2, rstd2, g2, be2, Wf, bf):
    O = v2.shape[-1]
    Z = Wf.shape[1]
    return pl.pallas_call(
        _final_kernel,
        grid=(B,),
        in_specs=[
            pl.BlockSpec((1, N, O), lambda b: (b, 0, 0)),
            pl.BlockSpec((1, N, 4 * O), lambda b: (b, 0, 0)),
            pl.BlockSpec((1, N, O), lambda b: (b, 0, 0)),
            pl.BlockSpec((O,), lambda b: (0,)),
            pl.BlockSpec((O,), lambda b: (0,)),
            pl.BlockSpec((O,), lambda b: (0,)),
            pl.BlockSpec((O,), lambda b: (0,)),
            pl.BlockSpec(Wf.shape, lambda b: (0, 0)),
            pl.BlockSpec((Z,), lambda b: (0,)),
        ],
        out_specs=pl.BlockSpec((1, 1, Z), lambda b: (b, 0, 0)),
        out_shape=jax.ShapeDtypeStruct((B, 1, Z), jnp.float32),
    )(h1, gstats2, v2, mean2, rstd2, g2, be2, Wf, bf)



def kernel(x, W1, b1, g1, be1, W2, b2, g2, be2, Wf, bf):
    D1, xpad = _run_dist_x(x)
    xg = _run_sc_gather_rows(D1.reshape(B * N, N),
                             xpad.reshape(B * N, OPAD))
    ymax, ymin, psum, psq = _run_edgey(xg, x.reshape(B * N, -1), W1)
    h1f, u2f, v2f = _run_bn_finalize(ymax, ymin, psum, psq, g1, be1, W2)
    h1 = h1f.reshape(B, N, -1)
    D2 = _run_dist(h1)
    gstats2 = _run_sc_gather(D2.reshape(B * N, N), u2f)
    mean2, rstd2 = _run_bn_stats(gstats2, v2f)
    out = _run_final(h1, gstats2.reshape(B, N, -1), v2f.reshape(B, N, -1),
                     mean2, rstd2, g2, be2, Wf, bf)
    return out[:, 0, :]

# --- scband reference (transcript-rebuilt; emitter-appended) ---
"""Pipeline reference for scband-dgcnn-87677462381068 (READ-ONLY COPY).

The authoritative reference and input builder live on the scoring server;
editing this copy changes nothing except your own understanding.
"""

import jax, jax.numpy as jnp
import numpy as np

K = 40
EPS = 1e-5
NEG_SLOPE = 0.2


def knn_edge_features(x, k):
    # x: [B, N, C] (channel-last equivalent of torch's [B, C, N])
    inner = -2.0 * jnp.einsum('bnc,bmc->bnm', x, x)
    xx = jnp.sum(x * x, axis=-1)  # [B, N]
    pairwise = -xx[:, :, None] - inner - xx[:, None, :]  # [B, N, N] (neg sq dist)
    _, idx = jax.lax.top_k(pairwise, k)  # [B, N, k] nearest neighbors
    feature = jax.vmap(lambda xb, ib: xb[ib])(x, idx)  # [B, N, k, C] gather
    x_rep = jnp.broadcast_to(x[:, :, None, :], feature.shape)
    # concat([neighbor - center, center]) along channel dim -> [B, N, k, 2C]
    return jnp.concatenate([feature - x_rep, x_rep], axis=-1)


def edge_conv_block(edge, W, b, g, beta):
    # 1x1 Conv2d == per-point linear over channels
    y = jnp.einsum('bnkc,oc->bnko', edge, W) + b
    # BatchNorm2d (training-mode batch statistics, biased variance)
    mean = jnp.mean(y, axis=(0, 1, 2))
    var = jnp.var(y, axis=(0, 1, 2))
    y = g * (y - mean) / jnp.sqrt(var + EPS) + beta
    # LeakyReLU(0.2)
    y = jnp.where(y >= 0, y, NEG_SLOPE * y)
    # max over the k-neighbor dim
    return jnp.max(y, axis=2)  # [B, N, O]


def setup_inputs(seed: int = 0) -> dict:
    key = jax.random.key(seed)
    ks = jax.random.split(key, 4)
    B, N = 8, 1024
    x = jax.random.normal(ks[0], (B, N, 3), dtype=jnp.float32)
    W1 = jax.random.normal(ks[1], (64, 6), dtype=jnp.float32) / np.sqrt(6.0)
    b1 = jnp.zeros((64,), jnp.float32)
    g1 = jnp.ones((64,), jnp.float32)
    be1 = jnp.zeros((64,), jnp.float32)
    W2 = jax.random.normal(ks[2], (64, 128), dtype=jnp.float32) / np.sqrt(128.0)
    b2 = jnp.zeros((64,), jnp.float32)
    g2 = jnp.ones((64,), jnp.float32)
    be2 = jnp.zeros((64,), jnp.float32)
    Wf = jax.random.normal(ks[3], (128, 1024), dtype=jnp.float32) / np.sqrt(128.0)
    bf = jnp.zeros((1024,), jnp.float32)
    return {"x": x, "W1": W1, "b1": b1, "g1": g1, "be1": be1,
            "W2": W2, "b2": b2, "g2": g2, "be2": be2, "Wf": Wf, "bf": bf}


def reference(x, W1, b1, g1, be1, W2, b2, g2, be2, Wf, bf):
    # Torch forward transposes [B, N, C] -> [B, C, N]; we keep channel-last, same math.
    e1 = knn_edge_features(x, K)                 # [B, N, k, 6]
    h1 = edge_conv_block(e1, W1, b1, g1, be1)    # [B, N, 64]
    e2 = knn_edge_features(h1, K)                # [B, N, k, 128]
    h2 = edge_conv_block(e2, W2, b2, g2, be2)    # [B, N, 64]
    hcat = jnp.concatenate([h1, h2], axis=-1)    # [B, N, 128]
    out = hcat @ Wf + bf                         # [B, N, 1024] (2*Z_DIM)
    return jnp.max(out, axis=1)                  # [B, 1024] global max pool

if __name__ == "__main__":
    import jax
    _d = setup_inputs()
    print(jax.jit(kernel)(*tuple(_d.values())))

</pallas_src>

<mosaic_0001>
#map = affine_map<(d0, d1) -> (0, 0)>
module attributes {stable_mosaic.version = 14 : i64} {
  func.func @_sc_gather_rows(%arg0: i32, %arg1: i32, %arg2: memref<8192x1024xf32, #tpu.memory_space<hbm>>, %arg3: memref<8192x128xf32, #tpu.memory_space<hbm>>, %arg4: memref<327680x16xf32, #tpu.memory_space<hbm>>, %arg5: memref<1024xf32, #tpu.memory_space<vmem>>, %arg6: memref<1024xf32, #tpu.memory_space<vmem>>, %arg7: memref<56xi32, #tpu.memory_space<vmem>>, %arg8: memref<40x128xf32, #tpu.memory_space<vmem>>, %arg9: memref<40x16xf32, #tpu.memory_space<vmem>>, %arg10: memref<40x16xf32, #tpu.memory_space<vmem>>, %arg11: memref<!tpu.dma_semaphore, #tpu.memory_space<semaphore_mem>>, %arg12: memref<!tpu.dma_semaphore, #tpu.memory_space<semaphore_mem>>, %arg13: memref<!tpu.dma_semaphore, #tpu.memory_space<semaphore_mem>>, %arg14: memref<!tpu.dma_semaphore, #tpu.memory_space<semaphore_mem>>, %arg15: memref<!tpu.dma_semaphore, #tpu.memory_space<semaphore_mem>>) attributes {dimension_semantics = [#tpu.dimension_semantics<core_parallel>, #tpu.dimension_semantics<subcore_parallel>], iteration_bounds = array<i64: 2, 16>, scalar_prefetch = 0 : i64, scratch_operands = 11 : i64, tpu.core_type = #tpu.core_type<sc_vector_subcore>, window_params = [{transform_indices = #map}, {transform_indices = #map}, {transform_indices = #map}]} {
    %mul3A = arith.constant 2 : i32
    %mul3A_0 = arith.muli %arg1, %mul3A : i32
    %add3A = arith.addi %mul3A_0, %arg0 : i32
    %mul3A_1 = arith.constant 256 : i32
    %mul3A_2 = arith.muli %add3A, %mul3A_1 : i32
    %jit3A = arith.constant 1024 : i32
    %div3A = arith.divsi %mul3A_2, %jit3A : i32
    %sign3A = arith.constant 0 : i32
    %sign3A_3 = arith.cmpi sgt, %mul3A_2, %sign3A : i32
    %sign3A_4 = arith.extui %sign3A_3 : i1 to i32
    %sign3A_5 = arith.constant 0 : i32
    %sign3A_6 = arith.cmpi slt, %mul3A_2, %sign3A_5 : i32
    %sign3A_7 = arith.extui %sign3A_6 : i1 to i32
    %sign3A_8 = arith.subi %sign3A_4, %sign3A_7 : i32
    %sign3A_9 = arith.constant 0 : i32
    %sign3A_10 = arith.cmpi sgt, %jit3A, %sign3A_9 : i32
    %sign3A_11 = arith.extui %sign3A_10 : i1 to i32
    %sign3A_12 = arith.constant 0 : i32
    %sign3A_13 = arith.cmpi slt, %jit3A, %sign3A_12 : i32
    %sign3A_14 = arith.extui %sign3A_13 : i1 to i32
    %sign3A_15 = arith.subi %sign3A_11, %sign3A_14 : i32
    %ne3A = arith.cmpi ne, %sign3A_8, %sign3A_15 : i32
    %rem3A = arith.remsi %mul3A_2, %jit3A : i32
    %ne3A_16 = arith.constant 0 : i32
    %ne3A_17 = arith.cmpi ne, %rem3A, %ne3A_16 : i32
    %and3A = arith.andi %ne3A, %ne3A_17 : i1
    %sub3A = arith.constant 1 : i32
    %sub3A_18 = arith.subi %div3A, %sub3A : i32
    %select_n3A = arith.select %and3A, %sub3A_18, %div3A : i32
    %mul3A_19 = arith.constant 1024 : i32
    %mul3A_20 = arith.muli %select_n3A, %mul3A_19 : i32
    %iota3A = tpu.iota {dimensions = array<i32: 0>} : vector<16xi32>
    %dma_start3A = arith.constant 0 : i32
    %dma_start3A_21 = tpu.memref_slice %arg2[%mul3A_2, %dma_start3A] : memref<8192x1024xf32, #tpu.memory_space<hbm>> -> memref<1x1024xf32, #tpu.memory_space<hbm>>
    %dma_start3A_22 = tpu.memref_squeeze %dma_start3A_21 : memref<1x1024xf32, #tpu.memory_space<hbm>> -> memref<1024xf32, #tpu.memory_space<hbm>>
    %dma_start3A_23 = arith.constant 0 : i32
    %dma_start3A_24 = tpu.memref_slice %arg2[%mul3A_2, %dma_start3A_23] : memref<8192x1024xf32, #tpu.memory_space<hbm>> -> memref<1x1024xf32, #tpu.memory_space<hbm>>
    %dma_start3A_25 = tpu.memref_squeeze %dma_start3A_24 : memref<1x1024xf32, #tpu.memory_space<hbm>> -> memref<1024xf32, #tpu.memory_space<hbm>>
    tpu.enqueue_dma source(%dma_start3A_25 : memref<1024xf32, #tpu.memory_space<hbm>>) target(%arg5 : memref<1024xf32, #tpu.memory_space<vmem>>) target_semaphore(%arg11 : memref<!tpu.dma_semaphore, #tpu.memory_space<semaphore_mem>>)
    %scan3A = arith.constant 0 : i32
    %scan3A_26 = arith.constant 0 : i32
    %scan3A_27 = arith.constant 128 : i32
    %scan3A_28 = arith.addi %scan3A_26, %scan3A_27 : i32
    %scan3A_29 = arith.constant 1 : i32
    scf.for %scan3A_48 = %scan3A_26 to %scan3A_28 step %scan3A_29  : i32 {
      %mul3A_49 = arith.constant 2 : i32
      %mul3A_50 = arith.muli %mul3A_49, %scan3A_48 : i32
      %dma_wait3A_51 = arith.constant 0 : i32
      %dma_wait3A_52 = tpu.memref_slice %arg2[%mul3A_2, %dma_wait3A_51] : memref<8192x1024xf32, #tpu.memory_space<hbm>> -> memref<1x1024xf32, #tpu.memory_space<hbm>>
      %dma_wait3A_53 = tpu.memref_squeeze %dma_wait3A_52 : memref<1x1024xf32, #tpu.memory_space<hbm>> -> memref<1024xf32, #tpu.memory_space<hbm>>
      %dma_wait3A_54 = arith.constant 0 : i32
      %dma_wait3A_55 = tpu.memref_slice %arg2[%mul3A_2, %dma_wait3A_54] : memref<8192x1024xf32, #tpu.memory_space<hbm>> -> memref<1x1024xf32, #tpu.memory_space<hbm>>
      %dma_wait3A_56 = tpu.memref_squeeze %dma_wait3A_55 : memref<1x1024xf32, #tpu.memory_space<hbm>> -> memref<1024xf32, #tpu.memory_space<hbm>>
      tpu.wait_dma2 semaphore(%arg11 : memref<!tpu.dma_semaphore, #tpu.memory_space<semaphore_mem>>) src(%dma_wait3A_56 : memref<1024xf32, #tpu.memory_space<hbm>>) dst(%arg5 : memref<1024xf32, #tpu.memory_space<vmem>>)
      %add3A_57 = arith.addi %mul3A_2, %mul3A_50 : i32
      %add3A_58 = arith.constant 1 : i32
      %add3A_59 = arith.addi %add3A_57, %add3A_58 : i32
      %dma_start3A_60 = arith.constant 0 : i32
      %dma_start3A_61 = tpu.memref_slice %arg2[%add3A_59, %dma_start3A_60] : memref<8192x1024xf32, #tpu.memory_space<hbm>> -> memref<1x1024xf32, #tpu.memory_space<hbm>>
      %dma_start3A_62 = tpu.memref_squeeze %dma_start3A_61 : memref<1x1024xf32, #tpu.memory_space<hbm>> -> memref<1024xf32, #tpu.memory_space<hbm>>
      %dma_start3A_63 = arith.constant 0 : i32
      %dma_start3A_64 = tpu.memref_slice %arg2[%add3A_59, %dma_start3A_63] : memref<8192x1024xf32, #tpu.memory_space<hbm>> -> memref<1x1024xf32, #tpu.memory_space<hbm>>
      %dma_start3A_65 = tpu.memref_squeeze %dma_start3A_64 : memref<1x1024xf32, #tpu.memory_space<hbm>> -> memref<1024xf32, #tpu.memory_space<hbm>>
      tpu.enqueue_dma source(%dma_start3A_65 : memref<1024xf32, #tpu.memory_space<hbm>>) target(%arg6 : memref<1024xf32, #tpu.memory_space<vmem>>) target_semaphore(%arg12 : memref<!tpu.dma_semaphore, #tpu.memory_space<semaphore_mem>>)
      %scan3A_66 = arith.constant 0 : i32
      %scan3A_67 = arith.constant 0 : i32
      %scan3A_68 = arith.constant 64 : i32
      %scan3A_69 = arith.addi %scan3A_67, %scan3A_68 : i32
      %scan3A_70 = arith.constant 1 : i32
      %scan3A_71 = scf.for %scan3A_154 = %scan3A_67 to %scan3A_69 step %scan3A_70 iter_args(%scan3A_155 = %scan3A_66) -> (i32)  : i32 {
        %mul3A_156 = arith.constant 16 : i32
        %mul3A_157 = arith.muli %scan3A_154, %mul3A_156 : i32
        %get3A = arith.index_cast %mul3A_157 : i32 to index
        %get3A_158 = tpu.vector_load %arg5[%get3A] {strides = array<i32>} : memref<1024xf32, #tpu.memory_space<vmem>>, vector<16xf32>,
        %gt3A = arith.constant 0.000000e+00 : f32
        %gt3A_159 = vector.broadcast %gt3A : f32 to vector<16xf32>
        %gt3A_160 = arith.cmpf ogt, %get3A_158, %gt3A_159 : vector<16xf32>
        %mul3A_161 = arith.constant 16 : i32
        %mul3A_162 = arith.muli %scan3A_154, %mul3A_161 : i32
        %add3A_163 = arith.addi %mul3A_20, %mul3A_162 : i32
        %add3A_164 = vector.broadcast %add3A_163 : i32 to vector<16xi32>
        %add3A_165 = arith.addi %add3A_164, %iota3A : vector<16xi32>
        %swap3A = arith.index_cast %scan3A_155 : i32 to index
        %swap3A_166 = tpu.vector_load %arg7[%swap3A] masked %gt3A_160 {strides = array<i32>} : memref<56xi32, #tpu.memory_space<vmem>>, vector<16xi32>, vector<16xi1>
        tpu.vector_store %arg7[%swap3A], %add3A_165 masked %gt3A_160 {strides = array<i32>} : memref<56xi32, #tpu.memory_space<vmem>>, vector<16xi32>, vector<16xi1>
        %convert_element_type3A_167 = arith.extui %gt3A_160 : vector<16xi1> to vector<16xi32>
        %reduce_sum3A = arith.constant true
        %reduce_sum3A_168 = vector.broadcast %reduce_sum3A : i1 to vector<16xi1>
        %reduce_sum3A_169 = tpu.scan <sum>, %convert_element_type3A_167 masked %reduce_sum3A_168 : vector<16xi32>, vector<16xi1> -> vector<16xi32>
        %reduce_sum3A_170 = vector.extract %reduce_sum3A_169[15] : i32 from vector<16xi32>
        %add3A_171 = arith.addi %scan3A_155, %reduce_sum3A_170 : i32
        scf.yield %add3A_171 : i32
      }
      %scan3A_72 = arith.constant 64 : i32
      %while3A = arith.constant 0 : i32
      %while3A_73:2 = scf.while (%while3A_154 = %while3A, %while3A_155 = %scan3A_71) : (i32, i32) -> (i32, i32) {
        %lt3A = arith.constant 64 : i32
        %lt3A_156 = arith.cmpi slt, %while3A_154, %lt3A : i32
        %lt3A_157 = arith.constant 40 : i32
        %lt3A_158 = arith.cmpi slt, %while3A_155, %lt3A_157 : i32
        %and3A_159 = arith.andi %lt3A_156, %lt3A_158 : i1
        scf.condition(%and3A_159) %while3A_154, %while3A_155 : i32, i32
      } do {
      ^bb0(%while3A_154: i32, %while3A_155: i32):
        %mul3A_156 = arith.constant 16 : i32
        %mul3A_157 = arith.muli %while3A_154, %mul3A_156 : i32
        %get3A = arith.index_cast %mul3A_157 : i32 to index
        %get3A_158 = tpu.vector_load %arg5[%get3A] {strides = array<i32>} : memref<1024xf32, #tpu.memory_space<vmem>>, vector<16xf32>,
        %eq3A = arith.constant 0.000000e+00 : f32
        %eq3A_159 = vector.broadcast %eq3A : f32 to vector<16xf32>
        %eq3A_160 = arith.cmpf oeq, %get3A_158, %eq3A_159 : vector<16xf32>
        %broadcast_in_dim3A = vector.broadcast %while3A_155 : i32 to vector<16xi32>
        %convert_element_type3A_161 = arith.extui %eq3A_160 : vector<16xi1> to vector<16xi32>
        %broadcast_in_dim3A_162 = arith.constant true
        %broadcast_in_dim3A_163 = vector.broadcast %broadcast_in_dim3A_162 : i1 to vector<16xi1>
        %masked_cumsum3A = tpu.scan <sum>, %convert_element_type3A_161 masked %broadcast_in_dim3A_163 : vector<16xi32>, vector<16xi1> -> vector<16xi32>
        %add3A_164 = arith.addi %broadcast_in_dim3A, %masked_cumsum3A : vector<16xi32>
        %sub3A_165 = arith.constant 1 : i32
        %sub3A_166 = vector.broadcast %sub3A_165 : i32 to vector<16xi32>
        %sub3A_167 = arith.subi %add3A_164, %sub3A_166 : vector<16xi32>
        %lt3A = arith.constant 40 : i32
        %lt3A_168 = vector.broadcast %lt3A : i32 to vector<16xi32>
        %lt3A_169 = arith.cmpi slt, %sub3A_167, %lt3A_168 : vector<16xi32>
        %and3A_170 = arith.andi %eq3A_160, %lt3A_169 : vector<16xi1>
        %mul3A_171 = arith.constant 16 : i32
        %mul3A_172 = arith.muli %while3A_154, %mul3A_171 : i32
        %add3A_173 = arith.addi %mul3A_20, %mul3A_172 : i32
        %add3A_174 = vector.broadcast %add3A_173 : i32 to vector<16xi32>
        %add3A_175 = arith.addi %add3A_174, %iota3A : vector<16xi32>
        %swap3A = arith.index_cast %while3A_155 : i32 to index
        %swap3A_176 = tpu.vector_load %arg7[%swap3A] masked %and3A_170 {strides = array<i32>} : memref<56xi32, #tpu.memory_space<vmem>>, vector<16xi32>, vector<16xi1>
        tpu.vector_store %arg7[%swap3A], %add3A_175 masked %and3A_170 {strides = array<i32>} : memref<56xi32, #tpu.memory_space<vmem>>, vector<16xi32>, vector<16xi1>
        %add3A_177 = arith.constant 1 : i32
        %add3A_178 = arith.addi %while3A_154, %add3A_177 : i32
        %convert_element_type3A_179 = arith.extui %and3A_170 : vector<16xi1> to vector<16xi32>
        %reduce_sum3A = arith.constant true
        %reduce_sum3A_180 = vector.broadcast %reduce_sum3A : i1 to vector<16xi1>
        %reduce_sum3A_181 = tpu.scan <sum>, %convert_element_type3A_179 masked %reduce_sum3A_180 : vector<16xi32>, vector<16xi1> -> vector<16xi32>
        %reduce_sum3A_182 = vector.extract %reduce_sum3A_181[15] : i32 from vector<16xi32>
        %add3A_183 = arith.addi %while3A_155, %reduce_sum3A_182 : i32
        scf.yield %add3A_178, %add3A_183 : i32, i32
      }
      %dma_start3A_74 = arith.constant 0 : i32
      %dma_start3A_75 = tpu.memref_slice %arg7[%dma_start3A_74] : memref<56xi32, #tpu.memory_space<vmem>> -> memref<40xi32, #tpu.memory_space<vmem>>
      %dma_start3A_76 = arith.constant 0 : i32
      %dma_start3A_77 = arith.constant 0 : i32
      %dma_start3A_78 = tpu.memref_slice %arg3[%dma_start3A_76, %dma_start3A_77] : memref<8192x128xf32, #tpu.memory_space<hbm>> -> memref<8192x128xf32, #tpu.memory_space<hbm>>
      tpu.enqueue_indirect_dma source(%dma_start3A_78 : memref<8192x128xf32, #tpu.memory_space<hbm>>) target(%arg8 : memref<40x128xf32, #tpu.memory_space<vmem>>) offsets(%dma_start3A_75 : memref<40xi32, #tpu.memory_space<vmem>>) semaphore(%arg13 : memref<!tpu.dma_semaphore, #tpu.memory_space<semaphore_mem>>)
      %dma_wait3A_79 = arith.constant 0 : i32
      %dma_wait3A_80 = tpu.memref_slice %arg7[%dma_wait3A_79] : memref<56xi32, #tpu.memory_space<vmem>> -> memref<40xi32, #tpu.memory_space<vmem>>
      %dma_wait3A_81 = arith.constant 0 : i32
      %dma_wait3A_82 = arith.constant 0 : i32
      %dma_wait3A_83 = tpu.memref_slice %arg3[%dma_wait3A_81, %dma_wait3A_82] : memref<8192x128xf32, #tpu.memory_space<hbm>> -> memref<8192x128xf32, #tpu.memory_space<hbm>>
      tpu.wait_indirect_dma semaphore(%arg13 : memref<!tpu.dma_semaphore, #tpu.memory_space<semaphore_mem>>) src(%dma_wait3A_83 : memref<8192x128xf32, #tpu.memory_space<hbm>>) dst(%arg8 : memref<40x128xf32, #tpu.memory_space<vmem>>)
      %ge3A = arith.constant 2 : i32
      %ge3A_84 = arith.cmpi sge, %mul3A_50, %ge3A : i32
      %convert_element_type3A = arith.extui %ge3A_84 : i1 to i32
      %cond3A = arith.constant 0 : i32
      %cond3A_85 = arith.cmpi ne, %convert_element_type3A, %cond3A : i32
      scf.if %cond3A_85 {
        %dma_wait3A_154 = arith.constant 0 : i32
        %dma_wait3A_155 = arith.constant 0 : i32
        %dma_wait3A_156 = tpu.memref_slice %arg4[%dma_wait3A_154, %dma_wait3A_155] : memref<327680x16xf32, #tpu.memory_space<hbm>> -> memref<40x16xf32, #tpu.memory_space<hbm>>
        %dma_wait3A_157 = arith.constant 0 : i32
        %dma_wait3A_158 = arith.constant 0 : i32
        %dma_wait3A_159 = tpu.memref_slice %arg4[%dma_wait3A_157, %dma_wait3A_158] : memref<327680x16xf32, #tpu.memory_space<hbm>> -> memref<40x16xf32, #tpu.memory_space<hbm>>
        tpu.wait_dma2 semaphore(%arg14 : memref<!tpu.dma_semaphore, #tpu.memory_space<semaphore_mem>>) src(%arg9 : memref<40x16xf32, #tpu.memory_space<vmem>>) dst(%dma_wait3A_159 : memref<40x16xf32, #tpu.memory_space<hbm>>)
      } else {
      }
      %scan3A_86 = arith.constant 0 : i32
      %scan3A_87 = arith.constant 0 : i32
      %scan3A_88 = arith.constant 40 : i32
      %scan3A_89 = arith.addi %scan3A_87, %scan3A_88 : i32
      %scan3A_90 = arith.constant 1 : i32
      scf.for %scan3A_154 = %scan3A_87 to %scan3A_89 step %scan3A_90  : i32 {
        %get3A = arith.index_cast %scan3A_154 : i32 to index
        %get3A_155 = arith.constant 0 : index
        %get3A_156 = tpu.vector_load %arg8[%get3A, %get3A_155] {strides = array<i32>} : memref<40x128xf32, #tpu.memory_space<vmem>>, vector<16xf32>,
        %swap3A = arith.index_cast %scan3A_154 : i32 to index
        %swap3A_157 = arith.constant 0 : index
        %swap3A_158 = tpu.vector_load %arg9[%swap3A, %swap3A_157] {strides = array<i32>} : memref<40x16xf32, #tpu.memory_space<vmem>>, vector<16xf32>,
        tpu.vector_store %arg9[%swap3A, %swap3A_157], %get3A_156 {strides = array<i32>} : memref<40x16xf32, #tpu.memory_space<vmem>>, vector<16xf32>,
      }
      %scan3A_91 = arith.constant 40 : i32
      %add3A_92 = arith.addi %mul3A_2, %mul3A_50 : i32
      %mul3A_93 = arith.constant 40 : i32
      %mul3A_94 = arith.muli %add3A_92, %mul3A_93 : i32
      %dma_start3A_95 = arith.constant 0 : i32
      %dma_start3A_96 = tpu.memref_slice %arg4[%mul3A_94, %dma_start3A_95] : memref<327680x16xf32, #tpu.memory_space<hbm>> -> memref<40x16xf32, #tpu.memory_space<hbm>>
      %dma_start3A_97 = arith.constant 0 : i32
      %dma_start3A_98 = tpu.memref_slice %arg4[%mul3A_94, %dma_start3A_97] : memref<327680x16xf32, #tpu.memory_space<hbm>> -> memref<40x16xf32, #tpu.memory_space<hbm>>
      tpu.enqueue_dma source(%arg9 : memref<40x16xf32, #tpu.memory_space<vmem>>) target(%dma_start3A_98 : memref<40x16xf32, #tpu.memory_space<hbm>>) target_semaphore(%arg14 : memref<!tpu.dma_semaphore, #tpu.memory_space<semaphore_mem>>)
      %dma_wait3A_99 = arith.constant 0 : i32
      %dma_wait3A_100 = tpu.memref_slice %arg2[%mul3A_2, %dma_wait3A_99] : memref<8192x1024xf32, #tpu.memory_space<hbm>> -> memref<1x1024xf32, #tpu.memory_space<hbm>>
      %dma_wait3A_101 = tpu.memref_squeeze %dma_wait3A_100 : memref<1x1024xf32, #tpu.memory_space<hbm>> -> memref<1024xf32, #tpu.memory_space<hbm>>
      %dma_wait3A_102 = arith.constant 0 : i32
      %dma_wait3A_103 = tpu.memref_slice %arg2[%mul3A_2, %dma_wait3A_102] : memref<8192x1024xf32, #tpu.memory_space<hbm>> -> memref<1x1024xf32, #tpu.memory_space<hbm>>
      %dma_wait3A_104 = tpu.memref_squeeze %dma_wait3A_103 : memref<1x1024xf32, #tpu.memory_space<hbm>> -> memref<1024xf32, #tpu.memory_space<hbm>>
      tpu.wait_dma2 semaphore(%arg12 : memref<!tpu.dma_semaphore, #tpu.memory_space<semaphore_mem>>) src(%dma_wait3A_104 : memref<1024xf32, #tpu.memory_space<hbm>>) dst(%arg6 : memref<1024xf32, #tpu.memory_space<vmem>>)
      %add3A_105 = arith.addi %mul3A_2, %mul3A_50 : i32
      %add3A_106 = arith.constant 2 : i32
      %add3A_107 = arith.addi %add3A_105, %add3A_106 : i32
      %min3A = arith.constant 8191 : i32
      %min3A_108 = arith.minsi %add3A_107, %min3A : i32
      %dma_start3A_109 = arith.constant 0 : i32
      %dma_start3A_110 = tpu.memref_slice %arg2[%min3A_108, %dma_start3A_109] : memref<8192x1024xf32, #tpu.memory_space<hbm>> -> memref<1x1024xf32, #tpu.memory_space<hbm>>
      %dma_start3A_111 = tpu.memref_squeeze %dma_start3A_110 : memref<1x1024xf32, #tpu.memory_space<hbm>> -> memref<1024xf32, #tpu.memory_space<hbm>>
      %dma_start3A_112 = arith.constant 0 : i32
      %dma_start3A_113 = tpu.memref_slice %arg2[%min3A_108, %dma_start3A_112] : memref<8192x1024xf32, #tpu.memory_space<hbm>> -> memref<1x1024xf32, #tpu.memory_space<hbm>>
      %dma_start3A_114 = tpu.memref_squeeze %dma_start3A_113 : memref<1x1024xf32, #tpu.memory_space<hbm>> -> memref<1024xf32, #tpu.memory_space<hbm>>
      tpu.enqueue_dma source(%dma_start3A_114 : memref<1024xf32, #tpu.memory_space<hbm>>) target(%arg5 : memref<1024xf32, #tpu.memory_space<vmem>>) target_semaphore(%arg11 : memref<!tpu.dma_semaphore, #tpu.memory_space<semaphore_mem>>)
      %add3A_115 = arith.constant 1 : i32
      %add3A_116 = arith.addi %mul3A_50, %add3A_115 : i32
      %scan3A_117 = arith.constant 0 : i32
      %scan3A_118 = arith.constant 0 : i32
      %scan3A_119 = arith.constant 64 : i32
      %scan3A_120 = arith.addi %scan3A_118, %scan3A_119 : i32
      %scan3A_121 = arith.constant 1 : i32
      %scan3A_122 = scf.for %scan3A_154 = %scan3A_118 to %scan3A_120 step %scan3A_121 iter_args(%scan3A_155 = %scan3A_117) -> (i32)  : i32 {
        %mul3A_156 = arith.constant 16 : i32
        %mul3A_157 = arith.muli %scan3A_154, %mul3A_156 : i32
        %get3A = arith.index_cast %mul3A_157 : i32 to index
        %get3A_158 = tpu.vector_load %arg6[%get3A] {strides = array<i32>} : memref<1024xf32, #tpu.memory_space<vmem>>, vector<16xf32>,
        %gt3A = arith.constant 0.000000e+00 : f32
        %gt3A_159 = vector.broadcast %gt3A : f32 to vector<16xf32>
        %gt3A_160 = arith.cmpf ogt, %get3A_158, %gt3A_159 : vector<16xf32>
        %mul3A_161 = arith.constant 16 : i32
        %mul3A_162 = arith.muli %scan3A_154, %mul3A_161 : i32
        %add3A_163 = arith.addi %mul3A_20, %mul3A_162 : i32
        %add3A_164 = vector.broadcast %add3A_163 : i32 to vector<16xi32>
        %add3A_165 = arith.addi %add3A_164, %iota3A : vector<16xi32>
        %swap3A = arith.index_cast %scan3A_155 : i32 to index
        %swap3A_166 = tpu.vector_load %arg7[%swap3A] masked %gt3A_160 {strides = array<i32>} : memref<56xi32, #tpu.memory_space<vmem>>, vector<16xi32>, vector<16xi1>
        tpu.vector_store %arg7[%swap3A], %add3A_165 masked %gt3A_160 {strides = array<i32>} : memref<56xi32, #tpu.memory_space<vmem>>, vector<16xi32>, vector<16xi1>
        %convert_element_type3A_167 = arith.extui %gt3A_160 : vector<16xi1> to vector<16xi32>
        %reduce_sum3A = arith.constant true
        %reduce_sum3A_168 = vector.broadcast %reduce_sum3A : i1 to vector<16xi1>
        %reduce_sum3A_169 = tpu.scan <sum>, %convert_element_type3A_167 masked %reduce_sum3A_168 : vector<16xi32>, vector<16xi1> -> vector<16xi32>
        %reduce_sum3A_170 = vector.extract %reduce_sum3A_169[15] : i32 from vector<16xi32>
        %add3A_171 = arith.addi %scan3A_155, %reduce_sum3A_170 : i32
        scf.yield %add3A_171 : i32
      }
      %scan3A_123 = arith.constant 64 : i32
      %while3A_124 = arith.constant 0 : i32
      %while3A_125:2 = scf.while (%while3A_154 = %while3A_124, %while3A_155 = %scan3A_122) : (i32, i32) -> (i32, i32) {
        %lt3A = arith.constant 64 : i32
        %lt3A_156 = arith.cmpi slt, %while3A_154, %lt3A : i32
        %lt3A_157 = arith.constant 40 : i32
        %lt3A_158 = arith.cmpi slt, %while3A_155, %lt3A_157 : i32
        %and3A_159 = arith.andi %lt3A_156, %lt3A_158 : i1
        scf.condition(%and3A_159) %while3A_154, %while3A_155 : i32, i32
      } do {
      ^bb0(%while3A_154: i32, %while3A_155: i32):
        %mul3A_156 = arith.constant 16 : i32
        %mul3A_157 = arith.muli %while3A_154, %mul3A_156 : i32
        %get3A = arith.index_cast %mul3A_157 : i32 to index
        %get3A_158 = tpu.vector_load %arg6[%get3A] {strides = array<i32>} : memref<1024xf32, #tpu.memory_space<vmem>>, vector<16xf32>,
        %eq3A = arith.constant 0.000000e+00 : f32
        %eq3A_159 = vector.broadcast %eq3A : f32 to vector<16xf32>
        %eq3A_160 = arith.cmpf oeq, %get3A_158, %eq3A_159 : vector<16xf32>
        %broadcast_in_dim3A = vector.broadcast %while3A_155 : i32 to vector<16xi32>
        %convert_element_type3A_161 = arith.extui %eq3A_160 : vector<16xi1> to vector<16xi32>
        %broadcast_in_dim3A_162 = arith.constant true
        %broadcast_in_dim3A_163 = vector.broadcast %broadcast_in_dim3A_162 : i1 to vector<16xi1>
        %masked_cumsum3A = tpu.scan <sum>, %convert_element_type3A_161 masked %broadcast_in_dim3A_163 : vector<16xi32>, vector<16xi1> -> vector<16xi32>
        %add3A_164 = arith.addi %broadcast_in_dim3A, %masked_cumsum3A : vector<16xi32>
        %sub3A_165 = arith.constant 1 : i32
        %sub3A_166 = vector.broadcast %sub3A_165 : i32 to vector<16xi32>
        %sub3A_167 = arith.subi %add3A_164, %sub3A_166 : vector<16xi32>
        %lt3A = arith.constant 40 : i32
        %lt3A_168 = vector.broadcast %lt3A : i32 to vector<16xi32>
        %lt3A_169 = arith.cmpi slt, %sub3A_167, %lt3A_168 : vector<16xi32>
        %and3A_170 = arith.andi %eq3A_160, %lt3A_169 : vector<16xi1>
        %mul3A_171 = arith.constant 16 : i32
        %mul3A_172 = arith.muli %while3A_154, %mul3A_171 : i32
        %add3A_173 = arith.addi %mul3A_20, %mul3A_172 : i32
        %add3A_174 = vector.broadcast %add3A_173 : i32 to vector<16xi32>
        %add3A_175 = arith.addi %add3A_174, %iota3A : vector<16xi32>
        %swap3A = arith.index_cast %while3A_155 : i32 to index
        %swap3A_176 = tpu.vector_load %arg7[%swap3A] masked %and3A_170 {strides = array<i32>} : memref<56xi32, #tpu.memory_space<vmem>>, vector<16xi32>, vector<16xi1>
        tpu.vector_store %arg7[%swap3A], %add3A_175 masked %and3A_170 {strides = array<i32>} : memref<56xi32, #tpu.memory_space<vmem>>, vector<16xi32>, vector<16xi1>
        %add3A_177 = arith.constant 1 : i32
        %add3A_178 = arith.addi %while3A_154, %add3A_177 : i32
        %convert_element_type3A_179 = arith.extui %and3A_170 : vector<16xi1> to vector<16xi32>
        %reduce_sum3A = arith.constant true
        %reduce_sum3A_180 = vector.broadcast %reduce_sum3A : i1 to vector<16xi1>
        %reduce_sum3A_181 = tpu.scan <sum>, %convert_element_type3A_179 masked %reduce_sum3A_180 : vector<16xi32>, vector<16xi1> -> vector<16xi32>
        %reduce_sum3A_182 = vector.extract %reduce_sum3A_181[15] : i32 from vector<16xi32>
        %add3A_183 = arith.addi %while3A_155, %reduce_sum3A_182 : i32
        scf.yield %add3A_178, %add3A_183 : i32, i32
      }
      %dma_start3A_126 = arith.constant 0 : i32
      %dma_start3A_127 = tpu.memref_slice %arg7[%dma_start3A_126] : memref<56xi32, #tpu.memory_space<vmem>> -> memref<40xi32, #tpu.memory_space<vmem>>
      %dma_start3A_128 = arith.constant 0 : i32
      %dma_start3A_129 = arith.constant 0 : i32
      %dma_start3A_130 = tpu.memref_slice %arg3[%dma_start3A_128, %dma_start3A_129] : memref<8192x128xf32, #tpu.memory_space<hbm>> -> memref<8192x128xf32, #tpu.memory_space<hbm>>
      tpu.enqueue_indirect_dma source(%dma_start3A_130 : memref<8192x128xf32, #tpu.memory_space<hbm>>) target(%arg8 : memref<40x128xf32, #tpu.memory_space<vmem>>) offsets(%dma_start3A_127 : memref<40xi32, #tpu.memory_space<vmem>>) semaphore(%arg13 : memref<!tpu.dma_semaphore, #tpu.memory_space<semaphore_mem>>)
      %dma_wait3A_131 = arith.constant 0 : i32
      %dma_wait3A_132 = tpu.memref_slice %arg7[%dma_wait3A_131] : memref<56xi32, #tpu.memory_space<vmem>> -> memref<40xi32, #tpu.memory_space<vmem>>
      %dma_wait3A_133 = arith.constant 0 : i32
      %dma_wait3A_134 = arith.constant 0 : i32
      %dma_wait3A_135 = tpu.memref_slice %arg3[%dma_wait3A_133, %dma_wait3A_134] : memref<8192x128xf32, #tpu.memory_space<hbm>> -> memref<8192x128xf32, #tpu.memory_space<hbm>>
      tpu.wait_indirect_dma semaphore(%arg13 : memref<!tpu.dma_semaphore, #tpu.memory_space<semaphore_mem>>) src(%dma_wait3A_135 : memref<8192x128xf32, #tpu.memory_space<hbm>>) dst(%arg8 : memref<40x128xf32, #tpu.memory_space<vmem>>)
      %ge3A_136 = arith.constant 2 : i32
      %ge3A_137 = arith.cmpi sge, %add3A_116, %ge3A_136 : i32
      %convert_element_type3A_138 = arith.extui %ge3A_137 : i1 to i32
      %cond3A_139 = arith.constant 0 : i32
      %cond3A_140 = arith.cmpi ne, %convert_element_type3A_138, %cond3A_139 : i32
      scf.if %cond3A_140 {
        %dma_wait3A_154 = arith.constant 0 : i32
        %dma_wait3A_155 = arith.constant 0 : i32
        %dma_wait3A_156 = tpu.memref_slice %arg4[%dma_wait3A_154, %dma_wait3A_155] : memref<327680x16xf32, #tpu.memory_space<hbm>> -> memref<40x16xf32, #tpu.memory_space<hbm>>
        %dma_wait3A_157 = arith.constant 0 : i32
        %dma_wait3A_158 = arith.constant 0 : i32
        %dma_wait3A_159 = tpu.memref_slice %arg4[%dma_wait3A_157, %dma_wait3A_158] : memref<327680x16xf32, #tpu.memory_space<hbm>> -> memref<40x16xf32, #tpu.memory_space<hbm>>
        tpu.wait_dma2 semaphore(%arg15 : memref<!tpu.dma_semaphore, #tpu.memory_space<semaphore_mem>>) src(%arg10 : memref<40x16xf32, #tpu.memory_space<vmem>>) dst(%dma_wait3A_159 : memref<40x16xf32, #tpu.memory_space<hbm>>)
      } else {
      }
      %scan3A_141 = arith.constant 0 : i32
      %scan3A_142 = arith.constant 0 : i32
      %scan3A_143 = arith.constant 40 : i32
      %scan3A_144 = arith.addi %scan3A_142, %scan3A_143 : i32
      %scan3A_145 = arith.constant 1 : i32
      scf.for %scan3A_154 = %scan3A_142 to %scan3A_144 step %scan3A_145  : i32 {
        %get3A = arith.index_cast %scan3A_154 : i32 to index
        %get3A_155 = arith.constant 0 : index
        %get3A_156 = tpu.vector_load %arg8[%get3A, %get3A_155] {strides = array<i32>} : memref<40x128xf32, #tpu.memory_space<vmem>>, vector<16xf32>,
        %swap3A = arith.index_cast %scan3A_154 : i32 to index
        %swap3A_157 = arith.constant 0 : index
        %swap3A_158 = tpu.vector_load %arg10[%swap3A, %swap3A_157] {strides = array<i32>} : memref<40x16xf32, #tpu.memory_space<vmem>>, vector<16xf32>,
        tpu.vector_store %arg10[%swap3A, %swap3A_157], %get3A_156 {strides = array<i32>} : memref<40x16xf32, #tpu.memory_space<vmem>>, vector<16xf32>,
      }
      %scan3A_146 = arith.constant 40 : i32
      %add3A_147 = arith.addi %mul3A_2, %add3A_116 : i32
      %mul3A_148 = arith.constant 40 : i32
      %mul3A_149 = arith.muli %add3A_147, %mul3A_148 : i32
      %dma_start3A_150 = arith.constant 0 : i32
      %dma_start3A_151 = tpu.memref_slice %arg4[%mul3A_149, %dma_start3A_150] : memref<327680x16xf32, #tpu.memory_space<hbm>> -> memref<40x16xf32, #tpu.memory_space<hbm>>
      %dma_start3A_152 = arith.constant 0 : i32
      %dma_start3A_153 = tpu.memref_slice %arg4[%mul3A_149, %dma_start3A_152] : memref<327680x16xf32, #tpu.memory_space<hbm>> -> memref<40x16xf32, #tpu.memory_space<hbm>>
      tpu.enqueue_dma source(%arg10 : memref<40x16xf32, #tpu.memory_space<vmem>>) target(%dma_start3A_153 : memref<40x16xf32, #tpu.memory_space<hbm>>) target_semaphore(%arg15 : memref<!tpu.dma_semaphore, #tpu.memory_space<semaphore_mem>>)
    }
    %scan3A_30 = arith.constant 128 : i32
    %dma_wait3A = arith.constant 0 : i32
    %dma_wait3A_31 = tpu.memref_slice %arg2[%mul3A_2, %dma_wait3A] : memref<8192x1024xf32, #tpu.memory_space<hbm>> -> memref<1x1024xf32, #tpu.memory_space<hbm>>
    %dma_wait3A_32 = tpu.memref_squeeze %dma_wait3A_31 : memref<1x1024xf32, #tpu.memory_space<hbm>> -> memref<1024xf32, #tpu.memory_space<hbm>>
    %dma_wait3A_33 = arith.constant 0 : i32
    %dma_wait3A_34 = tpu.memref_slice %arg2[%mul3A_2, %dma_wait3A_33] : memref<8192x1024xf32, #tpu.memory_space<hbm>> -> memref<1x1024xf32, #tpu.memory_space<hbm>>
    %dma_wait3A_35 = tpu.memref_squeeze %dma_wait3A_34 : memref<1x1024xf32, #tpu.memory_space<hbm>> -> memref<1024xf32, #tpu.memory_space<hbm>>
    tpu.wait_dma2 semaphore(%arg11 : memref<!tpu.dma_semaphore, #tpu.memory_space<semaphore_mem>>) src(%dma_wait3A_35 : memref<1024xf32, #tpu.memory_space<hbm>>) dst(%arg5 : memref<1024xf32, #tpu.memory_space<vmem>>)
    %dma_wait3A_36 = arith.constant 0 : i32
    %dma_wait3A_37 = arith.constant 0 : i32
    %dma_wait3A_38 = tpu.memref_slice %arg4[%dma_wait3A_36, %dma_wait3A_37] : memref<327680x16xf32, #tpu.memory_space<hbm>> -> memref<40x16xf32, #tpu.memory_space<hbm>>
    %dma_wait3A_39 = arith.constant 0 : i32
    %dma_wait3A_40 = arith.constant 0 : i32
    %dma_wait3A_41 = tpu.memref_slice %arg4[%dma_wait3A_39, %dma_wait3A_40] : memref<327680x16xf32, #tpu.memory_space<hbm>> -> memref<40x16xf32, #tpu.memory_space<hbm>>
    tpu.wait_dma2 semaphore(%arg14 : memref<!tpu.dma_semaphore, #tpu.memory_space<semaphore_mem>>) src(%arg9 : memref<40x16xf32, #tpu.memory_space<vmem>>) dst(%dma_wait3A_41 : memref<40x16xf32, #tpu.memory_space<hbm>>)
    %dma_wait3A_42 = arith.constant 0 : i32
    %dma_wait3A_43 = arith.constant 0 : i32
    %dma_wait3A_44 = tpu.memref_slice %arg4[%dma_wait3A_42, %dma_wait3A_43] : memref<327680x16xf32, #tpu.memory_space<hbm>> -> memref<40x16xf32, #tpu.memory_space<hbm>>
    %dma_wait3A_45 = arith.constant 0 : i32
    %dma_wait3A_46 = arith.constant 0 : i32
    %dma_wait3A_47 = tpu.memref_slice %arg4[%dma_wait3A_45, %dma_wait3A_46] : memref<327680x16xf32, #tpu.memory_space<hbm>> -> memref<40x16xf32, #tpu.memory_space<hbm>>
    tpu.wait_dma2 semaphore(%arg15 : memref<!tpu.dma_semaphore, #tpu.memory_space<semaphore_mem>>) src(%arg10 : memref<40x16xf32, #tpu.memory_space<vmem>>) dst(%dma_wait3A_47 : memref<40x16xf32, #tpu.memory_space<hbm>>)
    return
  }
}

#map = affine_map<(d0, d1) -> (0, 0)>
module attributes {stable_mosaic.version = 14 : i64} {
  func.func @_sc_gather_reduce(%arg0: i32, %arg1: i32, %arg2: memref<8192x1024xf32, #tpu.memory_space<hbm>>, %arg3: memref<8192x128xf32, #tpu.memory_space<hbm>>, %arg4: memref<8192x256xf32, #tpu.memory_space<hbm>>, %arg5: memref<1024xf32, #tpu.memory_space<vmem>>, %arg6: memref<1024xf32, #tpu.memory_space<vmem>>, %arg7: memref<56xi32, #tpu.memory_space<vmem>>, %arg8: memref<40x128xf32, #tpu.memory_space<vmem>>, %arg9: memref<256x256xf32, #tpu.memory_space<vmem>>, %arg10: memref<!tpu.dma_semaphore, #tpu.memory_space<semaphore_mem>>, %arg11: memref<!tpu.dma_semaphore, #tpu.memory_space<semaphore_mem>>, %arg12: memref<!tpu.dma_semaphore, #tpu.memory_space<semaphore_mem>>) attributes {dimension_semantics = [#tpu.dimension_semantics<core_parallel>, #tpu.dimension_semantics<subcore_parallel>], iteration_bounds = array<i64: 2, 16>, scalar_prefetch = 0 : i64, scratch_operands = 8 : i64, tpu.core_type = #tpu.core_type<sc_vector_subcore>, window_params = [{transform_indices = #map}, {transform_indices = #map}, {transform_indices = #map}]} {
    %mul3A = arith.constant 2 : i32
    %mul3A_0 = arith.muli %arg1, %mul3A : i32
    %add3A = arith.addi %mul3A_0, %arg0 : i32
    %mul3A_1 = arith.constant 256 : i32
    %mul3A_2 = arith.muli %add3A, %mul3A_1 : i32
    %jit3A = arith.constant 1024 : i32
    %div3A = arith.divsi %mul3A_2, %jit3A : i32
    %sign3A = arith.constant 0 : i32
    %sign3A_3 = arith.cmpi sgt, %mul3A_2, %sign3A : i32
    %sign3A_4 = arith.extui %sign3A_3 : i1 to i32
    %sign3A_5 = arith.constant 0 : i32
    %sign3A_6 = arith.cmpi slt, %mul3A_2, %sign3A_5 : i32
    %sign3A_7 = arith.extui %sign3A_6 : i1 to i32
    %sign3A_8 = arith.subi %sign3A_4, %sign3A_7 : i32
    %sign3A_9 = arith.constant 0 : i32
    %sign3A_10 = arith.cmpi sgt, %jit3A, %sign3A_9 : i32
    %sign3A_11 = arith.extui %sign3A_10 : i1 to i32
    %sign3A_12 = arith.constant 0 : i32
    %sign3A_13 = arith.cmpi slt, %jit3A, %sign3A_12 : i32
    %sign3A_14 = arith.extui %sign3A_13 : i1 to i32
    %sign3A_15 = arith.subi %sign3A_11, %sign3A_14 : i32
    %ne3A = arith.cmpi ne, %sign3A_8, %sign3A_15 : i32
    %rem3A = arith.remsi %mul3A_2, %jit3A : i32
    %ne3A_16 = arith.constant 0 : i32
    %ne3A_17 = arith.cmpi ne, %rem3A, %ne3A_16 : i32
    %and3A = arith.andi %ne3A, %ne3A_17 : i1
    %sub3A = arith.constant 1 : i32
    %sub3A_18 = arith.subi %div3A, %sub3A : i32
    %select_n3A = arith.select %and3A, %sub3A_18, %div3A : i32
    %mul3A_19 = arith.constant 1024 : i32
    %mul3A_20 = arith.muli %select_n3A, %mul3A_19 : i32
    %iota3A = tpu.iota {dimensions = array<i32: 0>} : vector<16xi32>
    %dma_start3A = arith.constant 0 : i32
    %dma_start3A_21 = tpu.memref_slice %arg2[%mul3A_2, %dma_start3A] : memref<8192x1024xf32, #tpu.memory_space<hbm>> -> memref<1x1024xf32, #tpu.memory_space<hbm>>
    %dma_start3A_22 = tpu.memref_squeeze %dma_start3A_21 : memref<1x1024xf32, #tpu.memory_space<hbm>> -> memref<1024xf32, #tpu.memory_space<hbm>>
    %dma_start3A_23 = arith.constant 0 : i32
    %dma_start3A_24 = tpu.memref_slice %arg2[%mul3A_2, %dma_start3A_23] : memref<8192x1024xf32, #tpu.memory_space<hbm>> -> memref<1x1024xf32, #tpu.memory_space<hbm>>
    %dma_start3A_25 = tpu.memref_squeeze %dma_start3A_24 : memref<1x1024xf32, #tpu.memory_space<hbm>> -> memref<1024xf32, #tpu.memory_space<hbm>>
    tpu.enqueue_dma source(%dma_start3A_25 : memref<1024xf32, #tpu.memory_space<hbm>>) target(%arg5 : memref<1024xf32, #tpu.memory_space<vmem>>) target_semaphore(%arg10 : memref<!tpu.dma_semaphore, #tpu.memory_space<semaphore_mem>>)
    %scan3A = arith.constant 0 : i32
    %scan3A_26 = arith.constant 0 : i32
    %scan3A_27 = arith.constant 128 : i32
    %scan3A_28 = arith.addi %scan3A_26, %scan3A_27 : i32
    %scan3A_29 = arith.constant 1 : i32
    scf.for %scan3A_36 = %scan3A_26 to %scan3A_28 step %scan3A_29  : i32 {
      %mul3A_37 = arith.constant 2 : i32
      %mul3A_38 = arith.muli %mul3A_37, %scan3A_36 : i32
      %dma_wait3A_39 = arith.constant 0 : i32
      %dma_wait3A_40 = tpu.memref_slice %arg2[%mul3A_2, %dma_wait3A_39] : memref<8192x1024xf32, #tpu.memory_space<hbm>> -> memref<1x1024xf32, #tpu.memory_space<hbm>>
      %dma_wait3A_41 = tpu.memref_squeeze %dma_wait3A_40 : memref<1x1024xf32, #tpu.memory_space<hbm>> -> memref<1024xf32, #tpu.memory_space<hbm>>
      %dma_wait3A_42 = arith.constant 0 : i32
      %dma_wait3A_43 = tpu.memref_slice %arg2[%mul3A_2, %dma_wait3A_42] : memref<8192x1024xf32, #tpu.memory_space<hbm>> -> memref<1x1024xf32, #tpu.memory_space<hbm>>
      %dma_wait3A_44 = tpu.memref_squeeze %dma_wait3A_43 : memref<1x1024xf32, #tpu.memory_space<hbm>> -> memref<1024xf32, #tpu.memory_space<hbm>>
      tpu.wait_dma2 semaphore(%arg10 : memref<!tpu.dma_semaphore, #tpu.memory_space<semaphore_mem>>) src(%dma_wait3A_44 : memref<1024xf32, #tpu.memory_space<hbm>>) dst(%arg5 : memref<1024xf32, #tpu.memory_space<vmem>>)
      %add3A_45 = arith.addi %mul3A_2, %mul3A_38 : i32
      %add3A_46 = arith.constant 1 : i32
      %add3A_47 = arith.addi %add3A_45, %add3A_46 : i32
      %dma_start3A_48 = arith.constant 0 : i32
      %dma_start3A_49 = tpu.memref_slice %arg2[%add3A_47, %dma_start3A_48] : memref<8192x1024xf32, #tpu.memory_space<hbm>> -> memref<1x1024xf32, #tpu.memory_space<hbm>>
      %dma_start3A_50 = tpu.memref_squeeze %dma_start3A_49 : memref<1x1024xf32, #tpu.memory_space<hbm>> -> memref<1024xf32, #tpu.memory_space<hbm>>
      %dma_start3A_51 = arith.constant 0 : i32
      %dma_start3A_52 = tpu.memref_slice %arg2[%add3A_47, %dma_start3A_51] : memref<8192x1024xf32, #tpu.memory_space<hbm>> -> memref<1x1024xf32, #tpu.memory_space<hbm>>
      %dma_start3A_53 = tpu.memref_squeeze %dma_start3A_52 : memref<1x1024xf32, #tpu.memory_space<hbm>> -> memref<1024xf32, #tpu.memory_space<hbm>>
      tpu.enqueue_dma source(%dma_start3A_53 : memref<1024xf32, #tpu.memory_space<hbm>>) target(%arg6 : memref<1024xf32, #tpu.memory_space<vmem>>) target_semaphore(%arg11 : memref<!tpu.dma_semaphore, #tpu.memory_space<semaphore_mem>>)
      %scan3A_54 = arith.constant 0 : i32
      %scan3A_55 = arith.constant 0 : i32
      %scan3A_56 = arith.constant 64 : i32
      %scan3A_57 = arith.addi %scan3A_55, %scan3A_56 : i32
      %scan3A_58 = arith.constant 1 : i32
      %scan3A_59 = scf.for %scan3A_227 = %scan3A_55 to %scan3A_57 step %scan3A_58 iter_args(%scan3A_228 = %scan3A_54) -> (i32)  : i32 {
        %mul3A_229 = arith.constant 16 : i32
        %mul3A_230 = arith.muli %scan3A_227, %mul3A_229 : i32
        %get3A = arith.index_cast %mul3A_230 : i32 to index
        %get3A_231 = tpu.vector_load %arg5[%get3A] {strides = array<i32>} : memref<1024xf32, #tpu.memory_space<vmem>>, vector<16xf32>,
        %gt3A = arith.constant 0.000000e+00 : f32
        %gt3A_232 = vector.broadcast %gt3A : f32 to vector<16xf32>
        %gt3A_233 = arith.cmpf ogt, %get3A_231, %gt3A_232 : vector<16xf32>
        %mul3A_234 = arith.constant 16 : i32
        %mul3A_235 = arith.muli %scan3A_227, %mul3A_234 : i32
        %add3A_236 = arith.addi %mul3A_20, %mul3A_235 : i32
        %add3A_237 = vector.broadcast %add3A_236 : i32 to vector<16xi32>
        %add3A_238 = arith.addi %add3A_237, %iota3A : vector<16xi32>
        %swap3A_239 = arith.index_cast %scan3A_228 : i32 to index
        %swap3A_240 = tpu.vector_load %arg7[%swap3A_239] masked %gt3A_233 {strides = array<i32>} : memref<56xi32, #tpu.memory_space<vmem>>, vector<16xi32>, vector<16xi1>
        tpu.vector_store %arg7[%swap3A_239], %add3A_238 masked %gt3A_233 {strides = array<i32>} : memref<56xi32, #tpu.memory_space<vmem>>, vector<16xi32>, vector<16xi1>
        %convert_element_type3A = arith.extui %gt3A_233 : vector<16xi1> to vector<16xi32>
        %reduce_sum3A = arith.constant true
        %reduce_sum3A_241 = vector.broadcast %reduce_sum3A : i1 to vector<16xi1>
        %reduce_sum3A_242 = tpu.scan <sum>, %convert_element_type3A masked %reduce_sum3A_241 : vector<16xi32>, vector<16xi1> -> vector<16xi32>
        %reduce_sum3A_243 = vector.extract %reduce_sum3A_242[15] : i32 from vector<16xi32>
        %add3A_244 = arith.addi %scan3A_228, %reduce_sum3A_243 : i32
        scf.yield %add3A_244 : i32
      }
      %scan3A_60 = arith.constant 64 : i32
      %while3A = arith.constant 0 : i32
      %while3A_61:2 = scf.while (%while3A_227 = %while3A, %while3A_228 = %scan3A_59) : (i32, i32) -> (i32, i32) {
        %lt3A = arith.constant 64 : i32
        %lt3A_229 = arith.cmpi slt, %while3A_227, %lt3A : i32
        %lt3A_230 = arith.constant 40 : i32
        %lt3A_231 = arith.cmpi slt, %while3A_228, %lt3A_230 : i32
        %and3A_232 = arith.andi %lt3A_229, %lt3A_231 : i1
        scf.condition(%and3A_232) %while3A_227, %while3A_228 : i32, i32
      } do {
      ^bb0(%while3A_227: i32, %while3A_228: i32):
        %mul3A_229 = arith.constant 16 : i32
        %mul3A_230 = arith.muli %while3A_227, %mul3A_229 : i32
        %get3A = arith.index_cast %mul3A_230 : i32 to index
        %get3A_231 = tpu.vector_load %arg5[%get3A] {strides = array<i32>} : memref<1024xf32, #tpu.memory_space<vmem>>, vector<16xf32>,
        %eq3A = arith.constant 0.000000e+00 : f32
        %eq3A_232 = vector.broadcast %eq3A : f32 to vector<16xf32>
        %eq3A_233 = arith.cmpf oeq, %get3A_231, %eq3A_232 : vector<16xf32>
        %broadcast_in_dim3A_234 = vector.broadcast %while3A_228 : i32 to vector<16xi32>
        %convert_element_type3A = arith.extui %eq3A_233 : vector<16xi1> to vector<16xi32>
        %broadcast_in_dim3A_235 = arith.constant true
        %broadcast_in_dim3A_236 = vector.broadcast %broadcast_in_dim3A_235 : i1 to vector<16xi1>
        %masked_cumsum3A = tpu.scan <sum>, %convert_element_type3A masked %broadcast_in_dim3A_236 : vector<16xi32>, vector<16xi1> -> vector<16xi32>
        %add3A_237 = arith.addi %broadcast_in_dim3A_234, %masked_cumsum3A : vector<16xi32>
        %sub3A_238 = arith.constant 1 : i32
        %sub3A_239 = vector.broadcast %sub3A_238 : i32 to vector<16xi32>
        %sub3A_240 = arith.subi %add3A_237, %sub3A_239 : vector<16xi32>
        %lt3A = arith.constant 40 : i32
        %lt3A_241 = vector.broadcast %lt3A : i32 to vector<16xi32>
        %lt3A_242 = arith.cmpi slt, %sub3A_240, %lt3A_241 : vector<16xi32>
        %and3A_243 = arith.andi %eq3A_233, %lt3A_242 : vector<16xi1>
        %mul3A_244 = arith.constant 16 : i32
        %mul3A_245 = arith.muli %while3A_227, %mul3A_244 : i32
        %add3A_246 = arith.addi %mul3A_20, %mul3A_245 : i32
        %add3A_247 = vector.broadcast %add3A_246 : i32 to vector<16xi32>
        %add3A_248 = arith.addi %add3A_247, %iota3A : vector<16xi32>
        %swap3A_249 = arith.index_cast %while3A_228 : i32 to index
        %swap3A_250 = tpu.vector_load %arg7[%swap3A_249] masked %and3A_243 {strides = array<i32>} : memref<56xi32, #tpu.memory_space<vmem>>, vector<16xi32>, vector<16xi1>
        tpu.vector_store %arg7[%swap3A_249], %add3A_248 masked %and3A_243 {strides = array<i32>} : memref<56xi32, #tpu.memory_space<vmem>>, vector<16xi32>, vector<16xi1>
        %add3A_251 = arith.constant 1 : i32
        %add3A_252 = arith.addi %while3A_227, %add3A_251 : i32
        %convert_element_type3A_253 = arith.extui %and3A_243 : vector<16xi1> to vector<16xi32>
        %reduce_sum3A = arith.constant true
        %reduce_sum3A_254 = vector.broadcast %reduce_sum3A : i1 to vector<16xi1>
        %reduce_sum3A_255 = tpu.scan <sum>, %convert_element_type3A_253 masked %reduce_sum3A_254 : vector<16xi32>, vector<16xi1> -> vector<16xi32>
        %reduce_sum3A_256 = vector.extract %reduce_sum3A_255[15] : i32 from vector<16xi32>
        %add3A_257 = arith.addi %while3A_228, %reduce_sum3A_256 : i32
        scf.yield %add3A_252, %add3A_257 : i32, i32
      }
      %dma_start3A_62 = arith.constant 0 : i32
      %dma_start3A_63 = tpu.memref_slice %arg7[%dma_start3A_62] : memref<56xi32, #tpu.memory_space<vmem>> -> memref<40xi32, #tpu.memory_space<vmem>>
      %dma_start3A_64 = arith.constant 0 : i32
      %dma_start3A_65 = arith.constant 0 : i32
      %dma_start3A_66 = tpu.memref_slice %arg3[%dma_start3A_64, %dma_start3A_65] : memref<8192x128xf32, #tpu.memory_space<hbm>> -> memref<8192x128xf32, #tpu.memory_space<hbm>>
      tpu.enqueue_indirect_dma source(%dma_start3A_66 : memref<8192x128xf32, #tpu.memory_space<hbm>>) target(%arg8 : memref<40x128xf32, #tpu.memory_space<vmem>>) offsets(%dma_start3A_63 : memref<40xi32, #tpu.memory_space<vmem>>) semaphore(%arg12 : memref<!tpu.dma_semaphore, #tpu.memory_space<semaphore_mem>>)
      %dma_wait3A_67 = arith.constant 0 : i32
      %dma_wait3A_68 = tpu.memref_slice %arg7[%dma_wait3A_67] : memref<56xi32, #tpu.memory_space<vmem>> -> memref<40xi32, #tpu.memory_space<vmem>>
      %dma_wait3A_69 = arith.constant 0 : i32
      %dma_wait3A_70 = arith.constant 0 : i32
      %dma_wait3A_71 = tpu.memref_slice %arg3[%dma_wait3A_69, %dma_wait3A_70] : memref<8192x128xf32, #tpu.memory_space<hbm>> -> memref<8192x128xf32, #tpu.memory_space<hbm>>
      tpu.wait_indirect_dma semaphore(%arg12 : memref<!tpu.dma_semaphore, #tpu.memory_space<semaphore_mem>>) src(%dma_wait3A_71 : memref<8192x128xf32, #tpu.memory_space<hbm>>) dst(%arg8 : memref<40x128xf32, #tpu.memory_space<vmem>>)
      %broadcast_in_dim3A = arith.constant 0xFF800000 : f32
      %broadcast_in_dim3A_72 = vector.broadcast %broadcast_in_dim3A : f32 to vector<16xf32>
      %broadcast_in_dim3A_73 = arith.constant 0x7F800000 : f32
      %broadcast_in_dim3A_74 = vector.broadcast %broadcast_in_dim3A_73 : f32 to vector<16xf32>
      %broadcast_in_dim3A_75 = arith.constant 0.000000e+00 : f32
      %broadcast_in_dim3A_76 = vector.broadcast %broadcast_in_dim3A_75 : f32 to vector<16xf32>
      %scan3A_77 = arith.constant 0 : i32
      %scan3A_78 = arith.constant 40 : i32
      %scan3A_79 = arith.addi %scan3A_77, %scan3A_78 : i32
      %scan3A_80 = arith.constant 1 : i32
      %scan3A_81:16 = scf.for %scan3A_227 = %scan3A_77 to %scan3A_79 step %scan3A_80 iter_args(%scan3A_228 = %broadcast_in_dim3A_72, %scan3A_229 = %broadcast_in_dim3A_72, %scan3A_230 = %broadcast_in_dim3A_72, %scan3A_231 = %broadcast_in_dim3A_72, %scan3A_232 = %broadcast_in_dim3A_74, %scan3A_233 = %broadcast_in_dim3A_74, %scan3A_234 = %broadcast_in_dim3A_74, %scan3A_235 = %broadcast_in_dim3A_74, %scan3A_236 = %broadcast_in_dim3A_76, %scan3A_237 = %broadcast_in_dim3A_76, %scan3A_238 = %broadcast_in_dim3A_76, %scan3A_239 = %broadcast_in_dim3A_76, %scan3A_240 = %broadcast_in_dim3A_76, %scan3A_241 = %broadcast_in_dim3A_76, %scan3A_242 = %broadcast_in_dim3A_76, %scan3A_243 = %broadcast_in_dim3A_76) -> (vector<16xf32>, vector<16xf32>, vector<16xf32>, vector<16xf32>, vector<16xf32>, vector<16xf32>, vector<16xf32>, vector<16xf32>, vector<16xf32>, vector<16xf32>, vector<16xf32>, vector<16xf32>, vector<16xf32>, vector<16xf32>, vector<16xf32>, vector<16xf32>)  : i32 {
        %get3A = arith.index_cast %scan3A_227 : i32 to index
        %get3A_244 = arith.constant 0 : index
        %get3A_245 = tpu.vector_load %arg8[%get3A, %get3A_244] {strides = array<i32>} : memref<40x128xf32, #tpu.memory_space<vmem>>, vector<16xf32>,
        %max3A = arith.maximumf %scan3A_228, %get3A_245 : vector<16xf32>
        %min3A_246 = arith.minimumf %scan3A_232, %get3A_245 : vector<16xf32>
        %add3A_247 = arith.addf %scan3A_236, %get3A_245 : vector<16xf32>
        %mul3A_248 = arith.mulf %get3A_245, %get3A_245 : vector<16xf32>
        %add3A_249 = arith.addf %scan3A_240, %mul3A_248 : vector<16xf32>
        %get3A_250 = arith.index_cast %scan3A_227 : i32 to index
        %get3A_251 = arith.constant 16 : index
        %get3A_252 = tpu.vector_load %arg8[%get3A_250, %get3A_251] {strides = array<i32>} : memref<40x128xf32, #tpu.memory_space<vmem>>, vector<16xf32>,
        %max3A_253 = arith.maximumf %scan3A_229, %get3A_252 : vector<16xf32>
        %min3A_254 = arith.minimumf %scan3A_233, %get3A_252 : vector<16xf32>
        %add3A_255 = arith.addf %scan3A_237, %get3A_252 : vector<16xf32>
        %mul3A_256 = arith.mulf %get3A_252, %get3A_252 : vector<16xf32>
        %add3A_257 = arith.addf %scan3A_241, %mul3A_256 : vector<16xf32>
        %get3A_258 = arith.index_cast %scan3A_227 : i32 to index
        %get3A_259 = arith.constant 32 : index
        %get3A_260 = tpu.vector_load %arg8[%get3A_258, %get3A_259] {strides = array<i32>} : memref<40x128xf32, #tpu.memory_space<vmem>>, vector<16xf32>,
        %max3A_261 = arith.maximumf %scan3A_230, %get3A_260 : vector<16xf32>
        %min3A_262 = arith.minimumf %scan3A_234, %get3A_260 : vector<16xf32>
        %add3A_263 = arith.addf %scan3A_238, %get3A_260 : vector<16xf32>
        %mul3A_264 = arith.mulf %get3A_260, %get3A_260 : vector<16xf32>
        %add3A_265 = arith.addf %scan3A_242, %mul3A_264 : vector<16xf32>
        %get3A_266 = arith.index_cast %scan3A_227 : i32 to index
        %get3A_267 = arith.constant 48 : index
        %get3A_268 = tpu.vector_load %arg8[%get3A_266, %get3A_267] {strides = array<i32>} : memref<40x128xf32, #tpu.memory_space<vmem>>, vector<16xf32>,
        %max3A_269 = arith.maximumf %scan3A_231, %get3A_268 : vector<16xf32>
        %min3A_270 = arith.minimumf %scan3A_235, %get3A_268 : vector<16xf32>
        %add3A_271 = arith.addf %scan3A_239, %get3A_268 : vector<16xf32>
        %mul3A_272 = arith.mulf %get3A_268, %get3A_268 : vector<16xf32>
        %add3A_273 = arith.addf %scan3A_243, %mul3A_272 : vector<16xf32>
        scf.yield %max3A, %max3A_253, %max3A_261, %max3A_269, %min3A_246, %min3A_254, %min3A_262, %min3A_270, %add3A_247, %add3A_255, %add3A_263, %add3A_271, %add3A_249, %add3A_257, %add3A_265, %add3A_273 : vector<16xf32>, vector<16xf32>, vector<16xf32>, vector<16xf32>, vector<16xf32>, vector<16xf32>, vector<16xf32>, vector<16xf32>, vector<16xf32>, vector<16xf32>, vector<16xf32>, vector<16xf32>, vector<16xf32>, vector<16xf32>, vector<16xf32>, vector<16xf32>
      }
      %scan3A_82 = arith.constant 40 : i32
      %swap3A = arith.index_cast %mul3A_38 : i32 to index
      %swap3A_83 = arith.constant 0 : index
      %swap3A_84 = tpu.vector_load %arg9[%swap3A, %swap3A_83] {strides = array<i32>} : memref<256x256xf32, #tpu.memory_space<vmem>>, vector<16xf32>,
      tpu.vector_store %arg9[%swap3A, %swap3A_83], %scan3A_81#0 {strides = array<i32>} : memref<256x256xf32, #tpu.memory_space<vmem>>, vector<16xf32>,
      %swap3A_85 = arith.index_cast %mul3A_38 : i32 to index
      %swap3A_86 = arith.constant 64 : index
      %swap3A_87 = tpu.vector_load %arg9[%swap3A_85, %swap3A_86] {strides = array<i32>} : memref<256x256xf32, #tpu.memory_space<vmem>>, vector<16xf32>,
      tpu.vector_store %arg9[%swap3A_85, %swap3A_86], %scan3A_81#4 {strides = array<i32>} : memref<256x256xf32, #tpu.memory_space<vmem>>, vector<16xf32>,
      %swap3A_88 = arith.index_cast %mul3A_38 : i32 to index
      %swap3A_89 = arith.constant 128 : index
      %swap3A_90 = tpu.vector_load %arg9[%swap3A_88, %swap3A_89] {strides = array<i32>} : memref<256x256xf32, #tpu.memory_space<vmem>>, vector<16xf32>,
      tpu.vector_store %arg9[%swap3A_88, %swap3A_89], %scan3A_81#8 {strides = array<i32>} : memref<256x256xf32, #tpu.memory_space<vmem>>, vector<16xf32>,
      %swap3A_91 = arith.index_cast %mul3A_38 : i32 to index
      %swap3A_92 = arith.constant 192 : index
      %swap3A_93 = tpu.vector_load %arg9[%swap3A_91, %swap3A_92] {strides = array<i32>} : memref<256x256xf32, #tpu.memory_space<vmem>>, vector<16xf32>,
      tpu.vector_store %arg9[%swap3A_91, %swap3A_92], %scan3A_81#12 {strides = array<i32>} : memref<256x256xf32, #tpu.memory_space<vmem>>, vector<16xf32>,
      %swap3A_94 = arith.index_cast %mul3A_38 : i32 to index
      %swap3A_95 = arith.constant 16 : index
      %swap3A_96 = tpu.vector_load %arg9[%swap3A_94, %swap3A_95] {strides = array<i32>} : memref<256x256xf32, #tpu.memory_space<vmem>>, vector<16xf32>,
      tpu.vector_store %arg9[%swap3A_94, %swap3A_95], %scan3A_81#1 {strides = array<i32>} : memref<256x256xf32, #tpu.memory_space<vmem>>, vector<16xf32>,
      %swap3A_97 = arith.index_cast %mul3A_38 : i32 to index
      %swap3A_98 = arith.constant 80 : index
      %swap3A_99 = tpu.vector_load %arg9[%swap3A_97, %swap3A_98] {strides = array<i32>} : memref<256x256xf32, #tpu.memory_space<vmem>>, vector<16xf32>,
      tpu.vector_store %arg9[%swap3A_97, %swap3A_98], %scan3A_81#5 {strides = array<i32>} : memref<256x256xf32, #tpu.memory_space<vmem>>, vector<16xf32>,
      %swap3A_100 = arith.index_cast %mul3A_38 : i32 to index
      %swap3A_101 = arith.constant 144 : index
      %swap3A_102 = tpu.vector_load %arg9[%swap3A_100, %swap3A_101] {strides = array<i32>} : memref<256x256xf32, #tpu.memory_space<vmem>>, vector<16xf32>,
      tpu.vector_store %arg9[%swap3A_100, %swap3A_101], %scan3A_81#9 {strides = array<i32>} : memref<256x256xf32, #tpu.memory_space<vmem>>, vector<16xf32>,
      %swap3A_103 = arith.index_cast %mul3A_38 : i32 to index
      %swap3A_104 = arith.constant 208 : index
      %swap3A_105 = tpu.vector_load %arg9[%swap3A_103, %swap3A_104] {strides = array<i32>} : memref<256x256xf32, #tpu.memory_space<vmem>>, vector<16xf32>,
      tpu.vector_store %arg9[%swap3A_103, %swap3A_104], %scan3A_81#13 {strides = array<i32>} : memref<256x256xf32, #tpu.memory_space<vmem>>, vector<16xf32>,
      %swap3A_106 = arith.index_cast %mul3A_38 : i32 to index
      %swap3A_107 = arith.constant 32 : index
      %swap3A_108 = tpu.vector_load %arg9[%swap3A_106, %swap3A_107] {strides = array<i32>} : memref<256x256xf32, #tpu.memory_space<vmem>>, vector<16xf32>,
      tpu.vector_store %arg9[%swap3A_106, %swap3A_107], %scan3A_81#2 {strides = array<i32>} : memref<256x256xf32, #tpu.memory_space<vmem>>, vector<16xf32>,
      %swap3A_109 = arith.index_cast %mul3A_38 : i32 to index
      %swap3A_110 = arith.constant 96 : index
      %swap3A_111 = tpu.vector_load %arg9[%swap3A_109, %swap3A_110] {strides = array<i32>} : memref<256x256xf32, #tpu.memory_space<vmem>>, vector<16xf32>,
      tpu.vector_store %arg9[%swap3A_109, %swap3A_110], %scan3A_81#6 {strides = array<i32>} : memref<256x256xf32, #tpu.memory_space<vmem>>, vector<16xf32>,
      %swap3A_112 = arith.index_cast %mul3A_38 : i32 to index
      %swap3A_113 = arith.constant 160 : index
      %swap3A_114 = tpu.vector_load %arg9[%swap3A_112, %swap3A_113] {strides = array<i32>} : memref<256x256xf32, #tpu.memory_space<vmem>>, vector<16xf32>,
      tpu.vector_store %arg9[%swap3A_112, %swap3A_113], %scan3A_81#10 {strides = array<i32>} : memref<256x256xf32, #tpu.memory_space<vmem>>, vector<16xf32>,
      %swap3A_115 = arith.index_cast %mul3A_38 : i32 to index
      %swap3A_116 = arith.constant 224 : index
      %swap3A_117 = tpu.vector_load %arg9[%swap3A_115, %swap3A_116] {strides = array<i32>} : memref<256x256xf32, #tpu.memory_space<vmem>>, vector<16xf32>,
      tpu.vector_store %arg9[%swap3A_115, %swap3A_116], %scan3A_81#14 {strides = array<i32>} : memref<256x256xf32, #tpu.memory_space<vmem>>, vector<16xf32>,
      %swap3A_118 = arith.index_cast %mul3A_38 : i32 to index
      %swap3A_119 = arith.constant 48 : index
      %swap3A_120 = tpu.vector_load %arg9[%swap3A_118, %swap3A_119] {strides = array<i32>} : memref<256x256xf32, #tpu.memory_space<vmem>>, vector<16xf32>,
      tpu.vector_store %arg9[%swap3A_118, %swap3A_119], %scan3A_81#3 {strides = array<i32>} : memref<256x256xf32, #tpu.memory_space<vmem>>, vector<16xf32>,
      %swap3A_121 = arith.index_cast %mul3A_38 : i32 to index
      %swap3A_122 = arith.constant 112 : index
      %swap3A_123 = tpu.vector_load %arg9[%swap3A_121, %swap3A_122] {strides = array<i32>} : memref<256x256xf32, #tpu.memory_space<vmem>>, vector<16xf32>,
      tpu.vector_store %arg9[%swap3A_121, %swap3A_122], %scan3A_81#7 {strides = array<i32>} : memref<256x256xf32, #tpu.memory_space<vmem>>, vector<16xf32>,
      %swap3A_124 = arith.index_cast %mul3A_38 : i32 to index
      %swap3A_125 = arith.constant 176 : index
      %swap3A_126 = tpu.vector_load %arg9[%swap3A_124, %swap3A_125] {strides = array<i32>} : memref<256x256xf32, #tpu.memory_space<vmem>>, vector<16xf32>,
      tpu.vector_store %arg9[%swap3A_124, %swap3A_125], %scan3A_81#11 {strides = array<i32>} : memref<256x256xf32, #tpu.memory_space<vmem>>, vector<16xf32>,
      %swap3A_127 = arith.index_cast %mul3A_38 : i32 to index
      %swap3A_128 = arith.constant 240 : index
      %swap3A_129 = tpu.vector_load %arg9[%swap3A_127, %swap3A_128] {strides = array<i32>} : memref<256x256xf32, #tpu.memory_space<vmem>>, vector<16xf32>,
      tpu.vector_store %arg9[%swap3A_127, %swap3A_128], %scan3A_81#15 {strides = array<i32>} : memref<256x256xf32, #tpu.memory_space<vmem>>, vector<16xf32>,
      %dma_wait3A_130 = arith.constant 0 : i32
      %dma_wait3A_131 = tpu.memref_slice %arg2[%mul3A_2, %dma_wait3A_130] : memref<8192x1024xf32, #tpu.memory_space<hbm>> -> memref<1x1024xf32, #tpu.memory_space<hbm>>
      %dma_wait3A_132 = tpu.memref_squeeze %dma_wait3A_131 : memref<1x1024xf32, #tpu.memory_space<hbm>> -> memref<1024xf32, #tpu.memory_space<hbm>>
      %dma_wait3A_133 = arith.constant 0 : i32
      %dma_wait3A_134 = tpu.memref_slice %arg2[%mul3A_2, %dma_wait3A_133] : memref<8192x1024xf32, #tpu.memory_space<hbm>> -> memref<1x1024xf32, #tpu.memory_space<hbm>>
      %dma_wait3A_135 = tpu.memref_squeeze %dma_wait3A_134 : memref<1x1024xf32, #tpu.memory_space<hbm>> -> memref<1024xf32, #tpu.memory_space<hbm>>
      tpu.wait_dma2 semaphore(%arg11 : memref<!tpu.dma_semaphore, #tpu.memory_space<semaphore_mem>>) src(%dma_wait3A_135 : memref<1024xf32, #tpu.memory_space<hbm>>) dst(%arg6 : memref<1024xf32, #tpu.memory_space<vmem>>)
      %add3A_136 = arith.addi %mul3A_2, %mul3A_38 : i32
      %add3A_137 = arith.constant 2 : i32
      %add3A_138 = arith.addi %add3A_136, %add3A_137 : i32
      %min3A = arith.constant 8191 : i32
      %min3A_139 = arith.minsi %add3A_138, %min3A : i32
      %dma_start3A_140 = arith.constant 0 : i32
      %dma_start3A_141 = tpu.memref_slice %arg2[%min3A_139, %dma_start3A_140] : memref<8192x1024xf32, #tpu.memory_space<hbm>> -> memref<1x1024xf32, #tpu.memory_space<hbm>>
      %dma_start3A_142 = tpu.memref_squeeze %dma_start3A_141 : memref<1x1024xf32, #tpu.memory_space<hbm>> -> memref<1024xf32, #tpu.memory_space<hbm>>
      %dma_start3A_143 = arith.constant 0 : i32
      %dma_start3A_144 = tpu.memref_slice %arg2[%min3A_139, %dma_start3A_143] : memref<8192x1024xf32, #tpu.memory_space<hbm>> -> memref<1x1024xf32, #tpu.memory_space<hbm>>
      %dma_start3A_145 = tpu.memref_squeeze %dma_start3A_144 : memref<1x1024xf32, #tpu.memory_space<hbm>> -> memref<1024xf32, #tpu.memory_space<hbm>>
      tpu.enqueue_dma source(%dma_start3A_145 : memref<1024xf32, #tpu.memory_space<hbm>>) target(%arg5 : memref<1024xf32, #tpu.memory_space<vmem>>) target_semaphore(%arg10 : memref<!tpu.dma_semaphore, #tpu.memory_space<semaphore_mem>>)
      %add3A_146 = arith.constant 1 : i32
      %add3A_147 = arith.addi %mul3A_38, %add3A_146 : i32
      %scan3A_148 = arith.constant 0 : i32
      %scan3A_149 = arith.constant 0 : i32
      %scan3A_150 = arith.constant 64 : i32
      %scan3A_151 = arith.addi %scan3A_149, %scan3A_150 : i32
      %scan3A_152 = arith.constant 1 : i32
      %scan3A_153 = scf.for %scan3A_227 = %scan3A_149 to %scan3A_151 step %scan3A_152 iter_args(%scan3A_228 = %scan3A_148) -> (i32)  : i32 {
        %mul3A_229 = arith.constant 16 : i32
        %mul3A_230 = arith.muli %scan3A_227, %mul3A_229 : i32
        %get3A = arith.index_cast %mul3A_230 : i32 to index
        %get3A_231 = tpu.vector_load %arg6[%get3A] {strides = array<i32>} : memref<1024xf32, #tpu.memory_space<vmem>>, vector<16xf32>,
        %gt3A = arith.constant 0.000000e+00 : f32
        %gt3A_232 = vector.broadcast %gt3A : f32 to vector<16xf32>
        %gt3A_233 = arith.cmpf ogt, %get3A_231, %gt3A_232 : vector<16xf32>
        %mul3A_234 = arith.constant 16 : i32
        %mul3A_235 = arith.muli %scan3A_227, %mul3A_234 : i32
        %add3A_236 = arith.addi %mul3A_20, %mul3A_235 : i32
        %add3A_237 = vector.broadcast %add3A_236 : i32 to vector<16xi32>
        %add3A_238 = arith.addi %add3A_237, %iota3A : vector<16xi32>
        %swap3A_239 = arith.index_cast %scan3A_228 : i32 to index
        %swap3A_240 = tpu.vector_load %arg7[%swap3A_239] masked %gt3A_233 {strides = array<i32>} : memref<56xi32, #tpu.memory_space<vmem>>, vector<16xi32>, vector<16xi1>
        tpu.vector_store %arg7[%swap3A_239], %add3A_238 masked %gt3A_233 {strides = array<i32>} : memref<56xi32, #tpu.memory_space<vmem>>, vector<16xi32>, vector<16xi1>
        %convert_element_type3A = arith.extui %gt3A_233 : vector<16xi1> to vector<16xi32>
        %reduce_sum3A = arith.constant true
        %reduce_sum3A_241 = vector.broadcast %reduce_sum3A : i1 to vector<16xi1>
        %reduce_sum3A_242 = tpu.scan <sum>, %convert_element_type3A masked %reduce_sum3A_241 : vector<16xi32>, vector<16xi1> -> vector<16xi32>
        %reduce_sum3A_243 = vector.extract %reduce_sum3A_242[15] : i32 from vector<16xi32>
        %add3A_244 = arith.addi %scan3A_228, %reduce_sum3A_243 : i32
        scf.yield %add3A_244 : i32
      }
      %scan3A_154 = arith.constant 64 : i32
      %while3A_155 = arith.constant 0 : i32
      %while3A_156:2 = scf.while (%while3A_227 = %while3A_155, %while3A_228 = %scan3A_153) : (i32, i32) -> (i32, i32) {
        %lt3A = arith.constant 64 : i32
        %lt3A_229 = arith.cmpi slt, %while3A_227, %lt3A : i32
        %lt3A_230 = arith.constant 40 : i32
        %lt3A_231 = arith.cmpi slt, %while3A_228, %lt3A_230 : i32
        %and3A_232 = arith.andi %lt3A_229, %lt3A_231 : i1
        scf.condition(%and3A_232) %while3A_227, %while3A_228 : i32, i32
      } do {
      ^bb0(%while3A_227: i32, %while3A_228: i32):
        %mul3A_229 = arith.constant 16 : i32
        %mul3A_230 = arith.muli %while3A_227, %mul3A_229 : i32
        %get3A = arith.index_cast %mul3A_230 : i32 to index
        %get3A_231 = tpu.vector_load %arg6[%get3A] {strides = array<i32>} : memref<1024xf32, #tpu.memory_space<vmem>>, vector<16xf32>,
        %eq3A = arith.constant 0.000000e+00 : f32
        %eq3A_232 = vector.broadcast %eq3A : f32 to vector<16xf32>
        %eq3A_233 = arith.cmpf oeq, %get3A_231, %eq3A_232 : vector<16xf32>
        %broadcast_in_dim3A_234 = vector.broadcast %while3A_228 : i32 to vector<16xi32>
        %convert_element_type3A = arith.extui %eq3A_233 : vector<16xi1> to vector<16xi32>
        %broadcast_in_dim3A_235 = arith.constant true
        %broadcast_in_dim3A_236 = vector.broadcast %broadcast_in_dim3A_235 : i1 to vector<16xi1>
        %masked_cumsum3A = tpu.scan <sum>, %convert_element_type3A masked %broadcast_in_dim3A_236 : vector<16xi32>, vector<16xi1> -> vector<16xi32>
        %add3A_237 = arith.addi %broadcast_in_dim3A_234, %masked_cumsum3A : vector<16xi32>
        %sub3A_238 = arith.constant 1 : i32
        %sub3A_239 = vector.broadcast %sub3A_238 : i32 to vector<16xi32>
        %sub3A_240 = arith.subi %add3A_237, %sub3A_239 : vector<16xi32>
        %lt3A = arith.constant 40 : i32
        %lt3A_241 = vector.broadcast %lt3A : i32 to vector<16xi32>
        %lt3A_242 = arith.cmpi slt, %sub3A_240, %lt3A_241 : vector<16xi32>
        %and3A_243 = arith.andi %eq3A_233, %lt3A_242 : vector<16xi1>
        %mul3A_244 = arith.constant 16 : i32
        %mul3A_245 = arith.muli %while3A_227, %mul3A_244 : i32
        %add3A_246 = arith.addi %mul3A_20, %mul3A_245 : i32
        %add3A_247 = vector.broadcast %add3A_246 : i32 to vector<16xi32>
        %add3A_248 = arith.addi %add3A_247, %iota3A : vector<16xi32>
        %swap3A_249 = arith.index_cast %while3A_228 : i32 to index
        %swap3A_250 = tpu.vector_load %arg7[%swap3A_249] masked %and3A_243 {strides = array<i32>} : memref<56xi32, #tpu.memory_space<vmem>>, vector<16xi32>, vector<16xi1>
        tpu.vector_store %arg7[%swap3A_249], %add3A_248 masked %and3A_243 {strides = array<i32>} : memref<56xi32, #tpu.memory_space<vmem>>, vector<16xi32>, vector<16xi1>
        %add3A_251 = arith.constant 1 : i32
        %add3A_252 = arith.addi %while3A_227, %add3A_251 : i32
        %convert_element_type3A_253 = arith.extui %and3A_243 : vector<16xi1> to vector<16xi32>
        %reduce_sum3A = arith.constant true
        %reduce_sum3A_254 = vector.broadcast %reduce_sum3A : i1 to vector<16xi1>
        %reduce_sum3A_255 = tpu.scan <sum>, %convert_element_type3A_253 masked %reduce_sum3A_254 : vector<16xi32>, vector<16xi1> -> vector<16xi32>
        %reduce_sum3A_256 = vector.extract %reduce_sum3A_255[15] : i32 from vector<16xi32>
        %add3A_257 = arith.addi %while3A_228, %reduce_sum3A_256 : i32
        scf.yield %add3A_252, %add3A_257 : i32, i32
      }
      %dma_start3A_157 = arith.constant 0 : i32
      %dma_start3A_158 = tpu.memref_slice %arg7[%dma_start3A_157] : memref<56xi32, #tpu.memory_space<vmem>> -> memref<40xi32, #tpu.memory_space<vmem>>
      %dma_start3A_159 = arith.constant 0 : i32
      %dma_start3A_160 = arith.constant 0 : i32
      %dma_start3A_161 = tpu.memref_slice %arg3[%dma_start3A_159, %dma_start3A_160] : memref<8192x128xf32, #tpu.memory_space<hbm>> -> memref<8192x128xf32, #tpu.memory_space<hbm>>
      tpu.enqueue_indirect_dma source(%dma_start3A_161 : memref<8192x128xf32, #tpu.memory_space<hbm>>) target(%arg8 : memref<40x128xf32, #tpu.memory_space<vmem>>) offsets(%dma_start3A_158 : memref<40xi32, #tpu.memory_space<vmem>>) semaphore(%arg12 : memref<!tpu.dma_semaphore, #tpu.memory_space<semaphore_mem>>)
      %dma_wait3A_162 = arith.constant 0 : i32
      %dma_wait3A_163 = tpu.memref_slice %arg7[%dma_wait3A_162] : memref<56xi32, #tpu.memory_space<vmem>> -> memref<40xi32, #tpu.memory_space<vmem>>
      %dma_wait3A_164 = arith.constant 0 : i32
      %dma_wait3A_165 = arith.constant 0 : i32
      %dma_wait3A_166 = tpu.memref_slice %arg3[%dma_wait3A_164, %dma_wait3A_165] : memref<8192x128xf32, #tpu.memory_space<hbm>> -> memref<8192x128xf32, #tpu.memory_space<hbm>>
      tpu.wait_indirect_dma semaphore(%arg12 : memref<!tpu.dma_semaphore, #tpu.memory_space<semaphore_mem>>) src(%dma_wait3A_166 : memref<8192x128xf32, #tpu.memory_space<hbm>>) dst(%arg8 : memref<40x128xf32, #tpu.memory_space<vmem>>)
      %broadcast_in_dim3A_167 = arith.constant 0xFF800000 : f32
      %broadcast_in_dim3A_168 = vector.broadcast %broadcast_in_dim3A_167 : f32 to vector<16xf32>
      %broadcast_in_dim3A_169 = arith.constant 0x7F800000 : f32
      %broadcast_in_dim3A_170 = vector.broadcast %broadcast_in_dim3A_169 : f32 to vector<16xf32>
      %broadcast_in_dim3A_171 = arith.constant 0.000000e+00 : f32
      %broadcast_in_dim3A_172 = vector.broadcast %broadcast_in_dim3A_171 : f32 to vector<16xf32>
      %scan3A_173 = arith.constant 0 : i32
      %scan3A_174 = arith.constant 40 : i32
      %scan3A_175 = arith.addi %scan3A_173, %scan3A_174 : i32
      %scan3A_176 = arith.constant 1 : i32
      %scan3A_177:16 = scf.for %scan3A_227 = %scan3A_173 to %scan3A_175 step %scan3A_176 iter_args(%scan3A_228 = %broadcast_in_dim3A_168, %scan3A_229 = %broadcast_in_dim3A_168, %scan3A_230 = %broadcast_in_dim3A_168, %scan3A_231 = %broadcast_in_dim3A_168, %scan3A_232 = %broadcast_in_dim3A_170, %scan3A_233 = %broadcast_in_dim3A_170, %scan3A_234 = %broadcast_in_dim3A_170, %scan3A_235 = %broadcast_in_dim3A_170, %scan3A_236 = %broadcast_in_dim3A_172, %scan3A_237 = %broadcast_in_dim3A_172, %scan3A_238 = %broadcast_in_dim3A_172, %scan3A_239 = %broadcast_in_dim3A_172, %scan3A_240 = %broadcast_in_dim3A_172, %scan3A_241 = %broadcast_in_dim3A_172, %scan3A_242 = %broadcast_in_dim3A_172, %scan3A_243 = %broadcast_in_dim3A_172) -> (vector<16xf32>, vector<16xf32>, vector<16xf32>, vector<16xf32>, vector<16xf32>, vector<16xf32>, vector<16xf32>, vector<16xf32>, vector<16xf32>, vector<16xf32>, vector<16xf32>, vector<16xf32>, vector<16xf32>, vector<16xf32>, vector<16xf32>, vector<16xf32>)  : i32 {
        %get3A = arith.index_cast %scan3A_227 : i32 to index
        %get3A_244 = arith.constant 0 : index
        %get3A_245 = tpu.vector_load %arg8[%get3A, %get3A_244] {strides = array<i32>} : memref<40x128xf32, #tpu.memory_space<vmem>>, vector<16xf32>,
        %max3A = arith.maximumf %scan3A_228, %get3A_245 : vector<16xf32>
        %min3A_246 = arith.minimumf %scan3A_232, %get3A_245 : vector<16xf32>
        %add3A_247 = arith.addf %scan3A_236, %get3A_245 : vector<16xf32>
        %mul3A_248 = arith.mulf %get3A_245, %get3A_245 : vector<16xf32>
        %add3A_249 = arith.addf %scan3A_240, %mul3A_248 : vector<16xf32>
        %get3A_250 = arith.index_cast %scan3A_227 : i32 to index
        %get3A_251 = arith.constant 16 : index
        %get3A_252 = tpu.vector_load %arg8[%get3A_250, %get3A_251] {strides = array<i32>} : memref<40x128xf32, #tpu.memory_space<vmem>>, vector<16xf32>,
        %max3A_253 = arith.maximumf %scan3A_229, %get3A_252 : vector<16xf32>
        %min3A_254 = arith.minimumf %scan3A_233, %get3A_252 : vector<16xf32>
        %add3A_255 = arith.addf %scan3A_237, %get3A_252 : vector<16xf32>
        %mul3A_256 = arith.mulf %get3A_252, %get3A_252 : vector<16xf32>
        %add3A_257 = arith.addf %scan3A_241, %mul3A_256 : vector<16xf32>
        %get3A_258 = arith.index_cast %scan3A_227 : i32 to index
        %get3A_259 = arith.constant 32 : index
        %get3A_260 = tpu.vector_load %arg8[%get3A_258, %get3A_259] {strides = array<i32>} : memref<40x128xf32, #tpu.memory_space<vmem>>, vector<16xf32>,
        %max3A_261 = arith.maximumf %scan3A_230, %get3A_260 : vector<16xf32>
        %min3A_262 = arith.minimumf %scan3A_234, %get3A_260 : vector<16xf32>
        %add3A_263 = arith.addf %scan3A_238, %get3A_260 : vector<16xf32>
        %mul3A_264 = arith.mulf %get3A_260, %get3A_260 : vector<16xf32>
        %add3A_265 = arith.addf %scan3A_242, %mul3A_264 : vector<16xf32>
        %get3A_266 = arith.index_cast %scan3A_227 : i32 to index
        %get3A_267 = arith.constant 48 : index
        %get3A_268 = tpu.vector_load %arg8[%get3A_266, %get3A_267] {strides = array<i32>} : memref<40x128xf32, #tpu.memory_space<vmem>>, vector<16xf32>,
        %max3A_269 = arith.maximumf %scan3A_231, %get3A_268 : vector<16xf32>
        %min3A_270 = arith.minimumf %scan3A_235, %get3A_268 : vector<16xf32>
        %add3A_271 = arith.addf %scan3A_239, %get3A_268 : vector<16xf32>
        %mul3A_272 = arith.mulf %get3A_268, %get3A_268 : vector<16xf32>
        %add3A_273 = arith.addf %scan3A_243, %mul3A_272 : vector<16xf32>
        scf.yield %max3A, %max3A_253, %max3A_261, %max3A_269, %min3A_246, %min3A_254, %min3A_262, %min3A_270, %add3A_247, %add3A_255, %add3A_263, %add3A_271, %add3A_249, %add3A_257, %add3A_265, %add3A_273 : vector<16xf32>, vector<16xf32>, vector<16xf32>, vector<16xf32>, vector<16xf32>, vector<16xf32>, vector<16xf32>, vector<16xf32>, vector<16xf32>, vector<16xf32>, vector<16xf32>, vector<16xf32>, vector<16xf32>, vector<16xf32>, vector<16xf32>, vector<16xf32>
      }
      %scan3A_178 = arith.constant 40 : i32
      %swap3A_179 = arith.index_cast %add3A_147 : i32 to index
      %swap3A_180 = arith.constant 0 : index
      %swap3A_181 = tpu.vector_load %arg9[%swap3A_179, %swap3A_180] {strides = array<i32>} : memref<256x256xf32, #tpu.memory_space<vmem>>, vector<16xf32>,
      tpu.vector_store %arg9[%swap3A_179, %swap3A_180], %scan3A_177#0 {strides = array<i32>} : memref<256x256xf32, #tpu.memory_space<vmem>>, vector<16xf32>,
      %swap3A_182 = arith.index_cast %add3A_147 : i32 to index
      %swap3A_183 = arith.constant 64 : index
      %swap3A_184 = tpu.vector_load %arg9[%swap3A_182, %swap3A_183] {strides = array<i32>} : memref<256x256xf32, #tpu.memory_space<vmem>>, vector<16xf32>,
      tpu.vector_store %arg9[%swap3A_182, %swap3A_183], %scan3A_177#4 {strides = array<i32>} : memref<256x256xf32, #tpu.memory_space<vmem>>, vector<16xf32>,
      %swap3A_185 = arith.index_cast %add3A_147 : i32 to index
      %swap3A_186 = arith.constant 128 : index
      %swap3A_187 = tpu.vector_load %arg9[%swap3A_185, %swap3A_186] {strides = array<i32>} : memref<256x256xf32, #tpu.memory_space<vmem>>, vector<16xf32>,
      tpu.vector_store %arg9[%swap3A_185, %swap3A_186], %scan3A_177#8 {strides = array<i32>} : memref<256x256xf32, #tpu.memory_space<vmem>>, vector<16xf32>,
      %swap3A_188 = arith.index_cast %add3A_147 : i32 to index
      %swap3A_189 = arith.constant 192 : index
      %swap3A_190 = tpu.vector_load %arg9[%swap3A_188, %swap3A_189] {strides = array<i32>} : memref<256x256xf32, #tpu.memory_space<vmem>>, vector<16xf32>,
      tpu.vector_store %arg9[%swap3A_188, %swap3A_189], %scan3A_177#12 {strides = array<i32>} : memref<256x256xf32, #tpu.memory_space<vmem>>, vector<16xf32>,
      %swap3A_191 = arith.index_cast %add3A_147 : i32 to index
      %swap3A_192 = arith.constant 16 : index
      %swap3A_193 = tpu.vector_load %arg9[%swap3A_191, %swap3A_192] {strides = array<i32>} : memref<256x256xf32, #tpu.memory_space<vmem>>, vector<16xf32>,
      tpu.vector_store %arg9[%swap3A_191, %swap3A_192], %scan3A_177#1 {strides = array<i32>} : memref<256x256xf32, #tpu.memory_space<vmem>>, vector<16xf32>,
      %swap3A_194 = arith.index_cast %add3A_147 : i32 to index
      %swap3A_195 = arith.constant 80 : index
      %swap3A_196 = tpu.vector_load %arg9[%swap3A_194, %swap3A_195] {strides = array<i32>} : memref<256x256xf32, #tpu.memory_space<vmem>>, vector<16xf32>,
      tpu.vector_store %arg9[%swap3A_194, %swap3A_195], %scan3A_177#5 {strides = array<i32>} : memref<256x256xf32, #tpu.memory_space<vmem>>, vector<16xf32>,
      %swap3A_197 = arith.index_cast %add3A_147 : i32 to index
      %swap3A_198 = arith.constant 144 : index
      %swap3A_199 = tpu.vector_load %arg9[%swap3A_197, %swap3A_198] {strides = array<i32>} : memref<256x256xf32, #tpu.memory_space<vmem>>, vector<16xf32>,
      tpu.vector_store %arg9[%swap3A_197, %swap3A_198], %scan3A_177#9 {strides = array<i32>} : memref<256x256xf32, #tpu.memory_space<vmem>>, vector<16xf32>,
      %swap3A_200 = arith.index_cast %add3A_147 : i32 to index
      %swap3A_201 = arith.constant 208 : index
      %swap3A_202 = tpu.vector_load %arg9[%swap3A_200, %swap3A_201] {strides = array<i32>} : memref<256x256xf32, #tpu.memory_space<vmem>>, vector<16xf32>,
      tpu.vector_store %arg9[%swap3A_200, %swap3A_201], %scan3A_177#13 {strides = array<i32>} : memref<256x256xf32, #tpu.memory_space<vmem>>, vector<16xf32>,
      %swap3A_203 = arith.index_cast %add3A_147 : i32 to index
      %swap3A_204 = arith.constant 32 : index
      %swap3A_205 = tpu.vector_load %arg9[%swap3A_203, %swap3A_204] {strides = array<i32>} : memref<256x256xf32, #tpu.memory_space<vmem>>, vector<16xf32>,
      tpu.vector_store %arg9[%swap3A_203, %swap3A_204], %scan3A_177#2 {strides = array<i32>} : memref<256x256xf32, #tpu.memory_space<vmem>>, vector<16xf32>,
      %swap3A_206 = arith.index_cast %add3A_147 : i32 to index
      %swap3A_207 = arith.constant 96 : index
      %swap3A_208 = tpu.vector_load %arg9[%swap3A_206, %swap3A_207] {strides = array<i32>} : memref<256x256xf32, #tpu.memory_space<vmem>>, vector<16xf32>,
      tpu.vector_store %arg9[%swap3A_206, %swap3A_207], %scan3A_177#6 {strides = array<i32>} : memref<256x256xf32, #tpu.memory_space<vmem>>, vector<16xf32>,
      %swap3A_209 = arith.index_cast %add3A_147 : i32 to index
      %swap3A_210 = arith.constant 160 : index
      %swap3A_211 = tpu.vector_load %arg9[%swap3A_209, %swap3A_210] {strides = array<i32>} : memref<256x256xf32, #tpu.memory_space<vmem>>, vector<16xf32>,
      tpu.vector_store %arg9[%swap3A_209, %swap3A_210], %scan3A_177#10 {strides = array<i32>} : memref<256x256xf32, #tpu.memory_space<vmem>>, vector<16xf32>,
      %swap3A_212 = arith.index_cast %add3A_147 : i32 to index
      %swap3A_213 = arith.constant 224 : index
      %swap3A_214 = tpu.vector_load %arg9[%swap3A_212, %swap3A_213] {strides = array<i32>} : memref<256x256xf32, #tpu.memory_space<vmem>>, vector<16xf32>,
      tpu.vector_store %arg9[%swap3A_212, %swap3A_213], %scan3A_177#14 {strides = array<i32>} : memref<256x256xf32, #tpu.memory_space<vmem>>, vector<16xf32>,
      %swap3A_215 = arith.index_cast %add3A_147 : i32 to index
      %swap3A_216 = arith.constant 48 : index
      %swap3A_217 = tpu.vector_load %arg9[%swap3A_215, %swap3A_216] {strides = array<i32>} : memref<256x256xf32, #tpu.memory_space<vmem>>, vector<16xf32>,
      tpu.vector_store %arg9[%swap3A_215, %swap3A_216], %scan3A_177#3 {strides = array<i32>} : memref<256x256xf32, #tpu.memory_space<vmem>>, vector<16xf32>,
      %swap3A_218 = arith.index_cast %add3A_147 : i32 to index
      %swap3A_219 = arith.constant 112 : index
      %swap3A_220 = tpu.vector_load %arg9[%swap3A_218, %swap3A_219] {strides = array<i32>} : memref<256x256xf32, #tpu.memory_space<vmem>>, vector<16xf32>,
      tpu.vector_store %arg9[%swap3A_218, %swap3A_219], %scan3A_177#7 {strides = array<i32>} : memref<256x256xf32, #tpu.memory_space<vmem>>, vector<16xf32>,
      %swap3A_221 = arith.index_cast %add3A_147 : i32 to index
      %swap3A_222 = arith.constant 176 : index
      %swap3A_223 = tpu.vector_load %arg9[%swap3A_221, %swap3A_222] {strides = array<i32>} : memref<256x256xf32, #tpu.memory_space<vmem>>, vector<16xf32>,
      tpu.vector_store %arg9[%swap3A_221, %swap3A_222], %scan3A_177#11 {strides = array<i32>} : memref<256x256xf32, #tpu.memory_space<vmem>>, vector<16xf32>,
      %swap3A_224 = arith.index_cast %add3A_147 : i32 to index
      %swap3A_225 = arith.constant 240 : index
      %swap3A_226 = tpu.vector_load %arg9[%swap3A_224, %swap3A_225] {strides = array<i32>} : memref<256x256xf32, #tpu.memory_space<vmem>>, vector<16xf32>,
      tpu.vector_store %arg9[%swap3A_224, %swap3A_225], %scan3A_177#15 {strides = array<i32>} : memref<256x256xf32, #tpu.memory_space<vmem>>, vector<16xf32>,
    }
    %scan3A_30 = arith.constant 128 : i32
    %dma_wait3A = arith.constant 0 : i32
    %dma_wait3A_31 = tpu.memref_slice %arg2[%mul3A_2, %dma_wait3A] : memref<8192x1024xf32, #tpu.memory_space<hbm>> -> memref<1x1024xf32, #tpu.memory_space<hbm>>
    %dma_wait3A_32 = tpu.memref_squeeze %dma_wait3A_31 : memref<1x1024xf32, #tpu.memory_space<hbm>> -> memref<1024xf32, #tpu.memory_space<hbm>>
    %dma_wait3A_33 = arith.constant 0 : i32
    %dma_wait3A_34 = tpu.memref_slice %arg2[%mul3A_2, %dma_wait3A_33] : memref<8192x1024xf32, #tpu.memory_space<hbm>> -> memref<1x1024xf32, #tpu.memory_space<hbm>>
    %dma_wait3A_35 = tpu.memref_squeeze %dma_wait3A_34 : memref<1x1024xf32, #tpu.memory_space<hbm>> -> memref<1024xf32, #tpu.memory_space<hbm>>
    tpu.wait_dma2 semaphore(%arg10 : memref<!tpu.dma_semaphore, #tpu.memory_space<semaphore_mem>>) src(%dma_wait3A_35 : memref<1024xf32, #tpu.memory_space<hbm>>) dst(%arg5 : memref<1024xf32, #tpu.memory_space<vmem>>)
    "tpu.region"() ({
      %run_scoped3A = tpu.sem_alloc : memref<!tpu.dma_semaphore, #tpu.memory_space<semaphore_mem>>
      %dma_start3A_36 = arith.constant 0 : i32
      %dma_start3A_37 = tpu.memref_slice %arg4[%mul3A_2, %dma_start3A_36] : memref<8192x256xf32, #tpu.memory_space<hbm>> -> memref<256x256xf32, #tpu.memory_space<hbm>>
      %dma_start3A_38 = arith.constant 0 : i32
      %dma_start3A_39 = tpu.memref_slice %arg4[%mul3A_2, %dma_start3A_38] : memref<8192x256xf32, #tpu.memory_space<hbm>> -> memref<256x256xf32, #tpu.memory_space<hbm>>
      tpu.enqueue_dma source(%arg9 : memref<256x256xf32, #tpu.memory_space<vmem>>) target(%dma_start3A_39 : memref<256x256xf32, #tpu.memory_space<hbm>>) target_semaphore(%run_scoped3A : memref<!tpu.dma_semaphore, #tpu.memory_space<semaphore_mem>>)
      %dma_wait3A_40 = arith.constant 0 : i32
      %dma_wait3A_41 = tpu.memref_slice %arg4[%mul3A_2, %dma_wait3A_40] : memref<8192x256xf32, #tpu.memory_space<hbm>> -> memref<256x256xf32, #tpu.memory_space<hbm>>
      %dma_wait3A_42 = arith.constant 0 : i32
      %dma_wait3A_43 = tpu.memref_slice %arg4[%mul3A_2, %dma_wait3A_42] : memref<8192x256xf32, #tpu.memory_space<hbm>> -> memref<256x256xf32, #tpu.memory_space<hbm>>
      tpu.wait_dma2 semaphore(%run_scoped3A : memref<!tpu.dma_semaphore, #tpu.memory_space<semaphore_mem>>) src(%arg9 : memref<256x256xf32, #tpu.memory_space<vmem>>) dst(%dma_wait3A_43 : memref<256x256xf32, #tpu.memory_space<hbm>>)
      tpu.yield
    }) : () -> ()
    return
  }
}

module attributes {stable_mosaic.version = 14 : i64} {
  func.func @_edgey_kernel(%arg0: i32, %arg1: memref<2560x16xf32, #tpu.memory_space<vmem>>, %arg2: memref<64x3xf32, #tpu.memory_space<vmem>>, %arg3: memref<64x6xf32, #tpu.memory_space<vmem>>, %arg4: memref<64x64xf32, #tpu.memory_space<vmem>>, %arg5: memref<64x64xf32, #tpu.memory_space<vmem>>, %arg6: memref<1x1x64xf32, #tpu.memory_space<vmem>>, %arg7: memref<1x1x64xf32, #tpu.memory_space<vmem>>) attributes {dimension_semantics = [#tpu.dimension_semantics<arbitrary>], iteration_bounds = array<i64: 128>, scalar_prefetch = 0 : i64, scratch_operands = 0 : i64, tpu.core_type = #tpu.core_type<tc>, window_params = [{transform_indices = @transform_0, window_bounds = array<i64: 2560, 16>}, {transform_indices = @transform_1, window_bounds = array<i64: 64, 3>}, {pipeline_mode = #tpu.pipeline_mode<synchronous>, transform_indices = @transform_2, window_bounds = array<i64: 64, 6>}, {transform_indices = @transform_3, window_bounds = array<i64: 64, 64>}, {transform_indices = @transform_4, window_bounds = array<i64: 64, 64>}, {transform_indices = @transform_5, window_bounds = array<i64: 1, 1, 64>}, {transform_indices = @transform_6, window_bounds = array<i64: 1, 1, 64>}]} {
    %get3A = arith.constant 0 : index
    %get3A_0 = arith.constant 0 : index
    %get3A_1 = vector.load %arg1[%get3A, %get3A_0] : memref<2560x16xf32, #tpu.memory_space<vmem>>, vector<2560x3xf32>
    %get3A_2 = arith.constant 0 : index
    %get3A_3 = arith.constant 0 : index
    %get3A_4 = vector.load %arg2[%get3A_2, %get3A_3] : memref<64x3xf32, #tpu.memory_space<vmem>>, vector<64x3xf32>
    %broadcast_in_dim3A = vector.shape_cast %get3A_4 : vector<64x3xf32> to vector<64x1x3xf32>
    %broadcast_in_dim3A_5 = vector.shape_cast %broadcast_in_dim3A : vector<64x1x3xf32> to vector<64x1x3xf32>
    %broadcast_in_dim3A_6 = vector.broadcast %broadcast_in_dim3A_5 : vector<64x1x3xf32> to vector<64x40x3xf32>
    %reshape3A = vector.shape_cast %broadcast_in_dim3A_6 : vector<64x40x3xf32> to vector<2560x3xf32>
    %sub3A = arith.subf %get3A_1, %reshape3A : vector<2560x3xf32>
    %concatenate3A = tpu.concatenate %sub3A, %reshape3A in 1 : vector<2560x3xf32>, vector<2560x3xf32> -> vector<2560x6xf32>
    %get3A_7 = arith.constant 0 : index
    %get3A_8 = arith.constant 0 : index
    %get3A_9 = vector.load %arg3[%get3A_7, %get3A_8] : memref<64x6xf32, #tpu.memory_space<vmem>>, vector<64x6xf32>
    %dot_general3A = arith.constant dense<0.000000e+00> : vector<2560x64xf32>
    %dot_general3A_10 = tpu.matmul %concatenate3A, %get3A_9, %dot_general3A {dimension_numbers = #tpu.dot_dimension_numbers<[1], [1], [0], [0], [0, 0, 1, 0], [], []>, transpose_lhs_hint = false} : vector<2560x6xf32>, vector<64x6xf32>, vector<2560x64xf32> -> vector<2560x64xf32>
    %reshape3A_11 = vector.shape_cast %dot_general3A_10 : vector<2560x64xf32> to vector<64x40x64xf32>
    %reduce_max3A = arith.constant dense<0xFF800000> : vector<64x64xf32>
    %reduce_max3A_12 = vector.multi_reduction <maximumf>, %reshape3A_11, %reduce_max3A [1] : vector<64x40x64xf32> to vector<64x64xf32>
    %swap3A = arith.constant 0 : index
    %swap3A_13 = arith.constant 0 : index
    %swap3A_14 = vector.load %arg4[%swap3A, %swap3A_13] : memref<64x64xf32, #tpu.memory_space<vmem>>, vector<64x64xf32>
    tpu.vector_store %arg4[%swap3A, %swap3A_13], %reduce_max3A_12 {strides = array<i32>} : memref<64x64xf32, #tpu.memory_space<vmem>>, vector<64x64xf32>,
    %reduce_min3A = arith.constant dense<0x7F800000> : vector<64x64xf32>
    %reduce_min3A_15 = vector.multi_reduction <minimumf>, %reshape3A_11, %reduce_min3A [1] : vector<64x40x64xf32> to vector<64x64xf32>
    %swap3A_16 = arith.constant 0 : index
    %swap3A_17 = arith.constant 0 : index
    %swap3A_18 = vector.load %arg5[%swap3A_16, %swap3A_17] : memref<64x64xf32, #tpu.memory_space<vmem>>, vector<64x64xf32>
    tpu.vector_store %arg5[%swap3A_16, %swap3A_17], %reduce_min3A_15 {strides = array<i32>} : memref<64x64xf32, #tpu.memory_space<vmem>>, vector<64x64xf32>,
    %reduce_sum3A = arith.constant dense<0.000000e+00> : vector<64xf32>
    %reduce_sum3A_19 = vector.multi_reduction <add>, %dot_general3A_10, %reduce_sum3A [0] : vector<2560x64xf32> to vector<64xf32>
    %broadcast_in_dim3A_20 = vector.shape_cast %reduce_sum3A_19 : vector<64xf32> to vector<1x1x64xf32>
    %swap3A_21 = arith.constant 0 : index
    %swap3A_22 = arith.constant 0 : index
    %swap3A_23 = arith.constant 0 : index
    %swap3A_24 = vector.load %arg6[%swap3A_21, %swap3A_22, %swap3A_23] : memref<1x1x64xf32, #tpu.memory_space<vmem>>, vector<1x1x64xf32>
    tpu.vector_store %arg6[%swap3A_21, %swap3A_22, %swap3A_23], %broadcast_in_dim3A_20 {strides = array<i32>} : memref<1x1x64xf32, #tpu.memory_space<vmem>>, vector<1x1x64xf32>,
    %mul3A = arith.mulf %dot_general3A_10, %dot_general3A_10 : vector<2560x64xf32>
    %reduce_sum3A_25 = arith.constant dense<0.000000e+00> : vector<64xf32>
    %reduce_sum3A_26 = vector.multi_reduction <add>, %mul3A, %reduce_sum3A_25 [0] : vector<2560x64xf32> to vector<64xf32>
    %broadcast_in_dim3A_27 = vector.shape_cast %reduce_sum3A_26 : vector<64xf32> to vector<1x1x64xf32>
    %swap3A_28 = arith.constant 0 : index
    %swap3A_29 = arith.constant 0 : index
    %swap3A_30 = arith.constant 0 : index
    %swap3A_31 = vector.load %arg7[%swap3A_28, %swap3A_29, %swap3A_30] : memref<1x1x64xf32, #tpu.memory_space<vmem>>, vector<1x1x64xf32>
    tpu.vector_store %arg7[%swap3A_28, %swap3A_29, %swap3A_30], %broadcast_in_dim3A_27 {strides = array<i32>} : memref<1x1x64xf32, #tpu.memory_space<vmem>>, vector<1x1x64xf32>,
    return
  }
  func.func @transform_0(%arg0: i32) -> (i32, i32) {
    %c0_i32 = arith.constant 0 : i32
    %c0_i32_0 = arith.constant 0 : i32
    return %arg0, %c0_i32 : i32, i32
  }
  func.func @transform_1(%arg0: i32) -> (i32, i32) {
    %c0_i32 = arith.constant 0 : i32
    %c0_i32_0 = arith.constant 0 : i32
    return %arg0, %c0_i32 : i32, i32
  }
  func.func @transform_2(%arg0: i32) -> (i32, i32) {
    %c0_i32 = arith.constant 0 : i32
    %c0_i32_0 = arith.constant 0 : i32
    %c0_i32_1 = arith.constant 0 : i32
    return %c0_i32, %c0_i32_0 : i32, i32
  }
  func.func @transform_3(%arg0: i32) -> (i32, i32) {
    %c0_i32 = arith.constant 0 : i32
    %c0_i32_0 = arith.constant 0 : i32
    return %arg0, %c0_i32 : i32, i32
  }
  func.func @transform_4(%arg0: i32) -> (i32, i32) {
    %c0_i32 = arith.constant 0 : i32
    %c0_i32_0 = arith.constant 0 : i32
    return %arg0, %c0_i32 : i32, i32
  }
  func.func @transform_5(%arg0: i32) -> (i32, i32, i32) {
    %c0_i32 = arith.constant 0 : i32
    %c0_i32_0 = arith.constant 0 : i32
    %c0_i32_1 = arith.constant 0 : i32
    return %arg0, %c0_i32, %c0_i32_0 : i32, i32, i32
  }
  func.func @transform_6(%arg0: i32) -> (i32, i32, i32) {
    %c0_i32 = arith.constant 0 : i32
    %c0_i32_0 = arith.constant 0 : i32
    %c0_i32_1 = arith.constant 0 : i32
    return %arg0, %c0_i32, %c0_i32_0 : i32, i32, i32
  }
}

module attributes {stable_mosaic.version = 14 : i64} {
  func.func @_dist_x_kernel(%arg0: i32, %arg1: memref<1x1024x3xf32, #tpu.memory_space<vmem>>, %arg2: memref<1x1024x1024xf32, #tpu.memory_space<vmem>>, %arg3: memref<1x1024x128xf32, #tpu.memory_space<vmem>>) attributes {dimension_semantics = [#tpu.dimension_semantics<arbitrary>], iteration_bounds = array<i64: 8>, scalar_prefetch = 0 : i64, scratch_operands = 0 : i64, tpu.core_type = #tpu.core_type<tc>, window_params = [{transform_indices = @transform_0, window_bounds = array<i64: 1, 1024, 3>}, {transform_indices = @transform_1, window_bounds = array<i64: 1, 1024, 1024>}, {transform_indices = @transform_2, window_bounds = array<i64: 1, 1024, 128>}]} {
    %get3A = arith.constant 0 : index
    %get3A_0 = arith.constant 0 : index
    %get3A_1 = arith.constant 0 : index
    %get3A_2 = vector.load %arg1[%get3A, %get3A_0, %get3A_1] : memref<1x1024x3xf32, #tpu.memory_space<vmem>>, vector<1x1024x3xf32>
    %get3A_3 = vector.shape_cast %get3A_2 : vector<1x1024x3xf32> to vector<1024x3xf32>
    %dot_general3A = arith.constant dense<0.000000e+00> : vector<1024x1024xf32>
    %dot_general3A_4 = tpu.matmul %get3A_3, %get3A_3, %dot_general3A {dimension_numbers = #tpu.dot_dimension_numbers<[1], [1], [0], [0], [0, 0, 1, 0], [], []>, transpose_lhs_hint = false} : vector<1024x3xf32>, vector<1024x3xf32>, vector<1024x1024xf32> -> vector<1024x1024xf32>
    %mul3A = arith.mulf %get3A_3, %get3A_3 : vector<1024x3xf32>
    %reduce_sum3A = arith.constant dense<0.000000e+00> : vector<1024xf32>
    %reduce_sum3A_5 = vector.multi_reduction <add>, %mul3A, %reduce_sum3A [1] : vector<1024x3xf32> to vector<1024xf32>
    %mul3A_6 = arith.constant -2.000000e+00 : f32
    %mul3A_7 = vector.broadcast %mul3A_6 : f32 to vector<1024x1024xf32>
    %mul3A_8 = arith.mulf %mul3A_7, %dot_general3A_4 : vector<1024x1024xf32>
    %neg3A = arith.constant 0.000000e+00 : f32
    %neg3A_9 = vector.broadcast %neg3A : f32 to vector<1024xf32>
    %neg3A_10 = arith.subf %neg3A_9, %reduce_sum3A_5 : vector<1024xf32>
    %broadcast_in_dim3A = vector.shape_cast %neg3A_10 : vector<1024xf32> to vector<1024x1xf32>
    %sub3A = vector.broadcast %broadcast_in_dim3A : vector<1024x1xf32> to vector<1024x1024xf32>
    %sub3A_11 = arith.subf %sub3A, %mul3A_8 : vector<1024x1024xf32>
    %broadcast_in_dim3A_12 = vector.shape_cast %reduce_sum3A_5 : vector<1024xf32> to vector<1x1024xf32>
    %sub3A_13 = vector.broadcast %broadcast_in_dim3A_12 : vector<1x1024xf32> to vector<1024x1024xf32>
    %sub3A_14 = arith.subf %sub3A_11, %sub3A_13 : vector<1024x1024xf32>
    %bitcast_convert_type3A = tpu.bitcast %sub3A_14 : vector<1024x1024xf32> -> vector<1024x1024xi32>
    %ge3A = arith.constant -2147483648 : i32
    %ge3A_15 = vector.broadcast %ge3A : i32 to vector<1024x1024xi32>
    %ge3A_16 = arith.cmpi uge, %bitcast_convert_type3A, %ge3A_15 : vector<1024x1024xi32>
    %not3A = arith.constant dense<-1> : vector<1024x1024xi32>
    %not3A_17 = arith.xori %bitcast_convert_type3A, %not3A : vector<1024x1024xi32>
    %or3A = arith.constant -2147483648 : i32
    %or3A_18 = vector.broadcast %or3A : i32 to vector<1024x1024xi32>
    %or3A_19 = arith.ori %bitcast_convert_type3A, %or3A_18 : vector<1024x1024xi32>
    %select_n3A = arith.select %ge3A_16, %not3A_17, %or3A_19 : vector<1024x1024xi1>, vector<1024x1024xi32>
    %transpose3A = tpu.transpose %select_n3A, [1, 0] : vector<1024x1024xi32> -> vector<1024x1024xi32>
    %broadcast_in_dim3A_20 = arith.constant 0 : i32
    %broadcast_in_dim3A_21 = vector.broadcast %broadcast_in_dim3A_20 : i32 to vector<1024xi32>
    %scan3A = arith.constant 0 : i32
    %scan3A_22 = arith.constant 32 : i32
    %scan3A_23 = arith.addi %scan3A, %scan3A_22 : i32
    %scan3A_24 = arith.constant 1 : i32
    %scan3A_25 = scf.for %scan3A_52 = %scan3A to %scan3A_23 step %scan3A_24 iter_args(%scan3A_53 = %broadcast_in_dim3A_21) -> (vector<1024xi32>)  : i32 {
      %sub3A_54 = arith.constant 31 : i32
      %sub3A_55 = arith.subi %sub3A_54, %scan3A_52 : i32
      %shift_left3A = arith.constant 1 : i32
      %shift_left3A_56 = arith.shli %shift_left3A, %sub3A_55 : i32
      %or3A_57 = vector.broadcast %shift_left3A_56 : i32 to vector<1024xi32>
      %or3A_58 = arith.ori %scan3A_53, %or3A_57 : vector<1024xi32>
      %broadcast_in_dim3A_59 = vector.shape_cast %or3A_58 : vector<1024xi32> to vector<1x1024xi32>
      %ge3A_60 = vector.broadcast %broadcast_in_dim3A_59 : vector<1x1024xi32> to vector<1024x1024xi32>
      %ge3A_61 = arith.cmpi uge, %transpose3A, %ge3A_60 : vector<1024x1024xi32>
      %convert_element_type3A = arith.extui %ge3A_61 : vector<1024x1024xi1> to vector<1024x1024xi32>
      %reduce_sum3A_62 = arith.constant dense<0> : vector<1024xi32>
      %reduce_sum3A_63 = vector.multi_reduction <add>, %convert_element_type3A, %reduce_sum3A_62 [0] : vector<1024x1024xi32> to vector<1024xi32>
      %ge3A_64 = arith.constant 40 : i32
      %ge3A_65 = vector.broadcast %ge3A_64 : i32 to vector<1024xi32>
      %ge3A_66 = arith.cmpi sge, %reduce_sum3A_63, %ge3A_65 : vector<1024xi32>
      %select_n3A_67 = arith.select %ge3A_66, %or3A_58, %scan3A_53 : vector<1024xi1>, vector<1024xi32>
      scf.yield %select_n3A_67 : vector<1024xi32>
    }
    %scan3A_26 = arith.constant 32 : i32
    %ge3A_27 = arith.constant -2147483648 : i32
    %ge3A_28 = vector.broadcast %ge3A_27 : i32 to vector<1024xi32>
    %ge3A_29 = arith.cmpi uge, %scan3A_25, %ge3A_28 : vector<1024xi32>
    %xor3A = arith.constant -2147483648 : i32
    %xor3A_30 = vector.broadcast %xor3A : i32 to vector<1024xi32>
    %xor3A_31 = arith.xori %scan3A_25, %xor3A_30 : vector<1024xi32>
    %not3A_32 = arith.constant dense<-1> : vector<1024xi32>
    %not3A_33 = arith.xori %scan3A_25, %not3A_32 : vector<1024xi32>
    %select_n3A_34 = arith.select %ge3A_29, %xor3A_31, %not3A_33 : vector<1024xi1>, vector<1024xi32>
    %bitcast_convert_type3A_35 = tpu.bitcast %select_n3A_34 : vector<1024xi32> -> vector<1024xf32>
    %broadcast_in_dim3A_36 = vector.shape_cast %bitcast_convert_type3A_35 : vector<1024xf32> to vector<1024x1xf32>
    %sub3A_37 = vector.broadcast %broadcast_in_dim3A_36 : vector<1024x1xf32> to vector<1024x1024xf32>
    %sub3A_38 = arith.subf %sub3A_14, %sub3A_37 : vector<1024x1024xf32>
    %swap3A = arith.constant 0 : index
    %swap3A_39 = arith.constant 0 : index
    %swap3A_40 = arith.constant 0 : index
    %swap3A_41 = vector.load %arg2[%swap3A, %swap3A_39, %swap3A_40] : memref<1x1024x1024xf32, #tpu.memory_space<vmem>>, vector<1x1024x1024xf32>
    %swap3A_42 = vector.shape_cast %swap3A_41 : vector<1x1024x1024xf32> to vector<1024x1024xf32>
    %swap3A_43 = vector.shape_cast %sub3A_38 : vector<1024x1024xf32> to vector<1x1024x1024xf32>
    tpu.vector_store %arg2[%swap3A, %swap3A_39, %swap3A_40], %swap3A_43 {strides = array<i32>} : memref<1x1024x1024xf32, #tpu.memory_space<vmem>>, vector<1x1024x1024xf32>,
    %broadcast_in_dim3A_44 = arith.constant 0.000000e+00 : f32
    %broadcast_in_dim3A_45 = vector.broadcast %broadcast_in_dim3A_44 : f32 to vector<1024x125xf32>
    %concatenate3A = tpu.concatenate %get3A_3, %broadcast_in_dim3A_45 in 1 : vector<1024x3xf32>, vector<1024x125xf32> -> vector<1024x128xf32>
    %swap3A_46 = arith.constant 0 : index
    %swap3A_47 = arith.constant 0 : index
    %swap3A_48 = arith.constant 0 : index
    %swap3A_49 = vector.load %arg3[%swap3A_46, %swap3A_47, %swap3A_48] : memref<1x1024x128xf32, #tpu.memory_space<vmem>>, vector<1x1024x128xf32>
    %swap3A_50 = vector.shape_cast %swap3A_49 : vector<1x1024x128xf32> to vector<1024x128xf32>
    %swap3A_51 = vector.shape_cast %concatenate3A : vector<1024x128xf32> to vector<1x1024x128xf32>
    tpu.vector_store %arg3[%swap3A_46, %swap3A_47, %swap3A_48], %swap3A_51 {strides = array<i32>} : memref<1x1024x128xf32, #tpu.memory_space<vmem>>, vector<1x1024x128xf32>,
    return
  }
  func.func @transform_0(%arg0: i32) -> (i32, i32, i32) {
    %c0_i32 = arith.constant 0 : i32
    %c0_i32_0 = arith.constant 0 : i32
    %c0_i32_1 = arith.constant 0 : i32
    return %arg0, %c0_i32, %c0_i32_0 : i32, i32, i32
  }
  func.func @transform_1(%arg0: i32) -> (i32, i32, i32) {
    %c0_i32 = arith.constant 0 : i32
    %c0_i32_0 = arith.constant 0 : i32
    %c0_i32_1 = arith.constant 0 : i32
    return %arg0, %c0_i32, %c0_i32_0 : i32, i32, i32
  }
  func.func @transform_2(%arg0: i32) -> (i32, i32, i32) {
    %c0_i32 = arith.constant 0 : i32
    %c0_i32_0 = arith.constant 0 : i32
    %c0_i32_1 = arith.constant 0 : i32
    return %arg0, %c0_i32, %c0_i32_0 : i32, i32, i32
  }
}

module attributes {stable_mosaic.version = 14 : i64} {
  func.func @_bn_finalize_kernel(%arg0: memref<8192x64xf32, #tpu.memory_space<vmem>>, %arg1: memref<8192x64xf32, #tpu.memory_space<vmem>>, %arg2: memref<128x1x64xf32, #tpu.memory_space<vmem>>, %arg3: memref<128x1x64xf32, #tpu.memory_space<vmem>>, %arg4: memref<64xf32, #tpu.memory_space<vmem>>, %arg5: memref<64xf32, #tpu.memory_space<vmem>>, %arg6: memref<64x128xf32, #tpu.memory_space<vmem>>, %arg7: memref<8192x64xf32, #tpu.memory_space<vmem>>, %arg8: memref<8192x128xf32, #tpu.memory_space<vmem>>, %arg9: memref<8192x64xf32, #tpu.memory_space<vmem>>) attributes {dimension_semantics = [], scalar_prefetch = 0 : i64, scratch_operands = 0 : i64, tpu.core_type = #tpu.core_type<tc>} {
    %get3A = arith.constant 0 : index
    %get3A_0 = arith.constant 0 : index
    %get3A_1 = arith.constant 0 : index
    %get3A_2 = vector.load %arg2[%get3A, %get3A_0, %get3A_1] : memref<128x1x64xf32, #tpu.memory_space<vmem>>, vector<128x1x64xf32>
    %squeeze3A = vector.shape_cast %get3A_2 : vector<128x1x64xf32> to vector<128x64xf32>
    %reduce_sum3A = arith.constant dense<0.000000e+00> : vector<64xf32>
    %reduce_sum3A_3 = vector.multi_reduction <add>, %squeeze3A, %reduce_sum3A [0] : vector<128x64xf32> to vector<64xf32>
    %div3A = arith.constant 3.276800e+05 : f32
    %div3A_4 = vector.broadcast %div3A : f32 to vector<64xf32>
    %div3A_5 = arith.divf %reduce_sum3A_3, %div3A_4 : vector<64xf32>
    %get3A_6 = arith.constant 0 : index
    %get3A_7 = arith.constant 0 : index
    %get3A_8 = arith.constant 0 : index
    %get3A_9 = vector.load %arg3[%get3A_6, %get3A_7, %get3A_8] : memref<128x1x64xf32, #tpu.memory_space<vmem>>, vector<128x1x64xf32>
    %squeeze3A_10 = vector.shape_cast %get3A_9 : vector<128x1x64xf32> to vector<128x64xf32>
    %reduce_sum3A_11 = arith.constant dense<0.000000e+00> : vector<64xf32>
    %reduce_sum3A_12 = vector.multi_reduction <add>, %squeeze3A_10, %reduce_sum3A_11 [0] : vector<128x64xf32> to vector<64xf32>
    %div3A_13 = arith.constant 3.276800e+05 : f32
    %div3A_14 = vector.broadcast %div3A_13 : f32 to vector<64xf32>
    %div3A_15 = arith.divf %reduce_sum3A_12, %div3A_14 : vector<64xf32>
    %mul3A = arith.mulf %div3A_5, %div3A_5 : vector<64xf32>
    %sub3A = arith.subf %div3A_15, %mul3A : vector<64xf32>
    %add3A = arith.constant 9.99999974E-6 : f32
    %add3A_16 = vector.broadcast %add3A : f32 to vector<64xf32>
    %add3A_17 = arith.addf %sub3A, %add3A_16 : vector<64xf32>
    %sqrt3A = math.sqrt %add3A_17 : vector<64xf32>
    %get3A_18 = arith.constant 0 : index
    %get3A_19 = vector.load %arg4[%get3A_18] : memref<64xf32, #tpu.memory_space<vmem>>, vector<64xf32>
    %get3A_20 = arith.constant 0 : index
    %get3A_21 = vector.load %arg5[%get3A_20] : memref<64xf32, #tpu.memory_space<vmem>>, vector<64xf32>
    %ge3A = arith.constant 0.000000e+00 : f32
    %ge3A_22 = vector.broadcast %ge3A : f32 to vector<64xf32>
    %ge3A_23 = arith.cmpf oge, %get3A_19, %ge3A_22 : vector<64xf32>
    %broadcast_in_dim3A = vector.shape_cast %ge3A_23 : vector<64xi1> to vector<1x64xi1>
    %get3A_24 = arith.constant 0 : index
    %get3A_25 = arith.constant 0 : index
    %get3A_26 = vector.load %arg0[%get3A_24, %get3A_25] : memref<8192x64xf32, #tpu.memory_space<vmem>>, vector<8192x64xf32>
    %get3A_27 = arith.constant 0 : index
    %get3A_28 = arith.constant 0 : index
    %get3A_29 = vector.load %arg1[%get3A_27, %get3A_28] : memref<8192x64xf32, #tpu.memory_space<vmem>>, vector<8192x64xf32>
    %broadcast_in_dim3A_30 = vector.shape_cast %broadcast_in_dim3A : vector<1x64xi1> to vector<1x64xi1>
    %broadcast_in_dim3A_31 = vector.broadcast %broadcast_in_dim3A_30 : vector<1x64xi1> to vector<8192x64xi1>
    %select_n3A = arith.select %broadcast_in_dim3A_31, %get3A_26, %get3A_29 : vector<8192x64xi1>, vector<8192x64xf32>
    %broadcast_in_dim3A_32 = vector.shape_cast %get3A_19 : vector<64xf32> to vector<1x64xf32>
    %broadcast_in_dim3A_33 = vector.shape_cast %div3A_5 : vector<64xf32> to vector<1x64xf32>
    %sub3A_34 = vector.broadcast %broadcast_in_dim3A_33 : vector<1x64xf32> to vector<8192x64xf32>
    %sub3A_35 = arith.subf %select_n3A, %sub3A_34 : vector<8192x64xf32>
    %mul3A_36 = vector.broadcast %broadcast_in_dim3A_32 : vector<1x64xf32> to vector<8192x64xf32>
    %mul3A_37 = arith.mulf %mul3A_36, %sub3A_35 : vector<8192x64xf32>
    %broadcast_in_dim3A_38 = vector.shape_cast %sqrt3A : vector<64xf32> to vector<1x64xf32>
    %div3A_39 = vector.broadcast %broadcast_in_dim3A_38 : vector<1x64xf32> to vector<8192x64xf32>
    %div3A_40 = arith.divf %mul3A_37, %div3A_39 : vector<8192x64xf32>
    %broadcast_in_dim3A_41 = vector.shape_cast %get3A_21 : vector<64xf32> to vector<1x64xf32>
    %add3A_42 = vector.broadcast %broadcast_in_dim3A_41 : vector<1x64xf32> to vector<8192x64xf32>
    %add3A_43 = arith.addf %div3A_40, %add3A_42 : vector<8192x64xf32>
    %ge3A_44 = arith.constant 0.000000e+00 : f32
    %ge3A_45 = vector.broadcast %ge3A_44 : f32 to vector<8192x64xf32>
    %ge3A_46 = arith.cmpf oge, %add3A_43, %ge3A_45 : vector<8192x64xf32>
    %mul3A_47 = arith.constant 2.000000e-01 : f32
    %mul3A_48 = vector.broadcast %mul3A_47 : f32 to vector<8192x64xf32>
    %mul3A_49 = arith.mulf %mul3A_48, %add3A_43 : vector<8192x64xf32>
    %select_n3A_50 = arith.select %ge3A_46, %add3A_43, %mul3A_49 : vector<8192x64xi1>, vector<8192x64xf32>
    %swap3A = arith.constant 0 : index
    %swap3A_51 = arith.constant 0 : index
    %swap3A_52 = vector.load %arg7[%swap3A, %swap3A_51] : memref<8192x64xf32, #tpu.memory_space<vmem>>, vector<8192x64xf32>
    tpu.vector_store %arg7[%swap3A, %swap3A_51], %select_n3A_50 {strides = array<i32>} : memref<8192x64xf32, #tpu.memory_space<vmem>>, vector<8192x64xf32>,
    %get3A_53 = arith.constant 0 : index
    %get3A_54 = arith.constant 0 : index
    %get3A_55 = vector.load %arg6[%get3A_53, %get3A_54] : memref<64x128xf32, #tpu.memory_space<vmem>>, vector<64x64xf32>
    %get3A_56 = arith.constant 0 : index
    %get3A_57 = arith.constant 64 : index
    %get3A_58 = vector.load %arg6[%get3A_56, %get3A_57] : memref<64x128xf32, #tpu.memory_space<vmem>>, vector<64x64xf32>
    %dot_general3A = arith.constant dense<0.000000e+00> : vector<8192x64xf32>
    %dot_general3A_59 = tpu.matmul %select_n3A_50, %get3A_55, %dot_general3A {dimension_numbers = #tpu.dot_dimension_numbers<[1], [1], [0], [0], [0, 0, 1, 0], [], []>, transpose_lhs_hint = false} : vector<8192x64xf32>, vector<64x64xf32>, vector<8192x64xf32> -> vector<8192x64xf32>
    %broadcast_in_dim3A_60 = arith.constant 0.000000e+00 : f32
    %broadcast_in_dim3A_61 = vector.broadcast %broadcast_in_dim3A_60 : f32 to vector<8192x64xf32>
    %concatenate3A = tpu.concatenate %dot_general3A_59, %broadcast_in_dim3A_61 in 1 : vector<8192x64xf32>, vector<8192x64xf32> -> vector<8192x128xf32>
    %swap3A_62 = arith.constant 0 : index
    %swap3A_63 = arith.constant 0 : index
    %swap3A_64 = vector.load %arg8[%swap3A_62, %swap3A_63] : memref<8192x128xf32, #tpu.memory_space<vmem>>, vector<8192x128xf32>
    tpu.vector_store %arg8[%swap3A_62, %swap3A_63], %concatenate3A {strides = array<i32>} : memref<8192x128xf32, #tpu.memory_space<vmem>>, vector<8192x128xf32>,
    %sub3A_65 = arith.subf %get3A_58, %get3A_55 : vector<64x64xf32>
    %dot_general3A_66 = arith.constant dense<0.000000e+00> : vector<8192x64xf32>
    %dot_general3A_67 = tpu.matmul %select_n3A_50, %sub3A_65, %dot_general3A_66 {dimension_numbers = #tpu.dot_dimension_numbers<[1], [1], [0], [0], [0, 0, 1, 0], [], []>, transpose_lhs_hint = false} : vector<8192x64xf32>, vector<64x64xf32>, vector<8192x64xf32> -> vector<8192x64xf32>
    %swap3A_68 = arith.constant 0 : index
    %swap3A_69 = arith.constant 0 : index
    %swap3A_70 = vector.load %arg9[%swap3A_68, %swap3A_69] : memref<8192x64xf32, #tpu.memory_space<vmem>>, vector<8192x64xf32>
    tpu.vector_store %arg9[%swap3A_68, %swap3A_69], %dot_general3A_67 {strides = array<i32>} : memref<8192x64xf32, #tpu.memory_space<vmem>>, vector<8192x64xf32>,
    return
  }
}

module attributes {stable_mosaic.version = 14 : i64} {
  func.func @_dist_kernel(%arg0: i32, %arg1: memref<1x1024x64xf32, #tpu.memory_space<vmem>>, %arg2: memref<1x1024x1024xf32, #tpu.memory_space<vmem>>) attributes {dimension_semantics = [#tpu.dimension_semantics<arbitrary>], iteration_bounds = array<i64: 8>, scalar_prefetch = 0 : i64, scratch_operands = 0 : i64, tpu.core_type = #tpu.core_type<tc>, window_params = [{transform_indices = @transform_0, window_bounds = array<i64: 1, 1024, 64>}, {transform_indices = @transform_1, window_bounds = array<i64: 1, 1024, 1024>}]} {
    %get3A = arith.constant 0 : index
    %get3A_0 = arith.constant 0 : index
    %get3A_1 = arith.constant 0 : index
    %get3A_2 = vector.load %arg1[%get3A, %get3A_0, %get3A_1] : memref<1x1024x64xf32, #tpu.memory_space<vmem>>, vector<1x1024x64xf32>
    %get3A_3 = vector.shape_cast %get3A_2 : vector<1x1024x64xf32> to vector<1024x64xf32>
    %dot_general3A = arith.constant dense<0.000000e+00> : vector<1024x1024xf32>
    %dot_general3A_4 = tpu.matmul %get3A_3, %get3A_3, %dot_general3A {dimension_numbers = #tpu.dot_dimension_numbers<[1], [1], [0], [0], [0, 0, 1, 0], [], []>, transpose_lhs_hint = false} : vector<1024x64xf32>, vector<1024x64xf32>, vector<1024x1024xf32> -> vector<1024x1024xf32>
    %mul3A = arith.mulf %get3A_3, %get3A_3 : vector<1024x64xf32>
    %reduce_sum3A = arith.constant dense<0.000000e+00> : vector<1024xf32>
    %reduce_sum3A_5 = vector.multi_reduction <add>, %mul3A, %reduce_sum3A [1] : vector<1024x64xf32> to vector<1024xf32>
    %mul3A_6 = arith.constant -2.000000e+00 : f32
    %mul3A_7 = vector.broadcast %mul3A_6 : f32 to vector<1024x1024xf32>
    %mul3A_8 = arith.mulf %mul3A_7, %dot_general3A_4 : vector<1024x1024xf32>
    %neg3A = arith.constant 0.000000e+00 : f32
    %neg3A_9 = vector.broadcast %neg3A : f32 to vector<1024xf32>
    %neg3A_10 = arith.subf %neg3A_9, %reduce_sum3A_5 : vector<1024xf32>
    %broadcast_in_dim3A = vector.shape_cast %neg3A_10 : vector<1024xf32> to vector<1024x1xf32>
    %sub3A = vector.broadcast %broadcast_in_dim3A : vector<1024x1xf32> to vector<1024x1024xf32>
    %sub3A_11 = arith.subf %sub3A, %mul3A_8 : vector<1024x1024xf32>
    %broadcast_in_dim3A_12 = vector.shape_cast %reduce_sum3A_5 : vector<1024xf32> to vector<1x1024xf32>
    %sub3A_13 = vector.broadcast %broadcast_in_dim3A_12 : vector<1x1024xf32> to vector<1024x1024xf32>
    %sub3A_14 = arith.subf %sub3A_11, %sub3A_13 : vector<1024x1024xf32>
    %bitcast_convert_type3A = tpu.bitcast %sub3A_14 : vector<1024x1024xf32> -> vector<1024x1024xi32>
    %ge3A = arith.constant -2147483648 : i32
    %ge3A_15 = vector.broadcast %ge3A : i32 to vector<1024x1024xi32>
    %ge3A_16 = arith.cmpi uge, %bitcast_convert_type3A, %ge3A_15 : vector<1024x1024xi32>
    %not3A = arith.constant dense<-1> : vector<1024x1024xi32>
    %not3A_17 = arith.xori %bitcast_convert_type3A, %not3A : vector<1024x1024xi32>
    %or3A = arith.constant -2147483648 : i32
    %or3A_18 = vector.broadcast %or3A : i32 to vector<1024x1024xi32>
    %or3A_19 = arith.ori %bitcast_convert_type3A, %or3A_18 : vector<1024x1024xi32>
    %select_n3A = arith.select %ge3A_16, %not3A_17, %or3A_19 : vector<1024x1024xi1>, vector<1024x1024xi32>
    %transpose3A = tpu.transpose %select_n3A, [1, 0] : vector<1024x1024xi32> -> vector<1024x1024xi32>
    %broadcast_in_dim3A_20 = arith.constant 0 : i32
    %broadcast_in_dim3A_21 = vector.broadcast %broadcast_in_dim3A_20 : i32 to vector<1024xi32>
    %scan3A = arith.constant 0 : i32
    %scan3A_22 = arith.constant 32 : i32
    %scan3A_23 = arith.addi %scan3A, %scan3A_22 : i32
    %scan3A_24 = arith.constant 1 : i32
    %scan3A_25 = scf.for %scan3A_44 = %scan3A to %scan3A_23 step %scan3A_24 iter_args(%scan3A_45 = %broadcast_in_dim3A_21) -> (vector<1024xi32>)  : i32 {
      %sub3A_46 = arith.constant 31 : i32
      %sub3A_47 = arith.subi %sub3A_46, %scan3A_44 : i32
      %shift_left3A = arith.constant 1 : i32
      %shift_left3A_48 = arith.shli %shift_left3A, %sub3A_47 : i32
      %or3A_49 = vector.broadcast %shift_left3A_48 : i32 to vector<1024xi32>
      %or3A_50 = arith.ori %scan3A_45, %or3A_49 : vector<1024xi32>
      %broadcast_in_dim3A_51 = vector.shape_cast %or3A_50 : vector<1024xi32> to vector<1x1024xi32>
      %ge3A_52 = vector.broadcast %broadcast_in_dim3A_51 : vector<1x1024xi32> to vector<1024x1024xi32>
      %ge3A_53 = arith.cmpi uge, %transpose3A, %ge3A_52 : vector<1024x1024xi32>
      %convert_element_type3A = arith.extui %ge3A_53 : vector<1024x1024xi1> to vector<1024x1024xi32>
      %reduce_sum3A_54 = arith.constant dense<0> : vector<1024xi32>
      %reduce_sum3A_55 = vector.multi_reduction <add>, %convert_element_type3A, %reduce_sum3A_54 [0] : vector<1024x1024xi32> to vector<1024xi32>
      %ge3A_56 = arith.constant 40 : i32
      %ge3A_57 = vector.broadcast %ge3A_56 : i32 to vector<1024xi32>
      %ge3A_58 = arith.cmpi sge, %reduce_sum3A_55, %ge3A_57 : vector<1024xi32>
      %select_n3A_59 = arith.select %ge3A_58, %or3A_50, %scan3A_45 : vector<1024xi1>, vector<1024xi32>
      scf.yield %select_n3A_59 : vector<1024xi32>
    }
    %scan3A_26 = arith.constant 32 : i32
    %ge3A_27 = arith.constant -2147483648 : i32
    %ge3A_28 = vector.broadcast %ge3A_27 : i32 to vector<1024xi32>
    %ge3A_29 = arith.cmpi uge, %scan3A_25, %ge3A_28 : vector<1024xi32>
    %xor3A = arith.constant -2147483648 : i32
    %xor3A_30 = vector.broadcast %xor3A : i32 to vector<1024xi32>
    %xor3A_31 = arith.xori %scan3A_25, %xor3A_30 : vector<1024xi32>
    %not3A_32 = arith.constant dense<-1> : vector<1024xi32>
    %not3A_33 = arith.xori %scan3A_25, %not3A_32 : vector<1024xi32>
    %select_n3A_34 = arith.select %ge3A_29, %xor3A_31, %not3A_33 : vector<1024xi1>, vector<1024xi32>
    %bitcast_convert_type3A_35 = tpu.bitcast %select_n3A_34 : vector<1024xi32> -> vector<1024xf32>
    %broadcast_in_dim3A_36 = vector.shape_cast %bitcast_convert_type3A_35 : vector<1024xf32> to vector<1024x1xf32>
    %sub3A_37 = vector.broadcast %broadcast_in_dim3A_36 : vector<1024x1xf32> to vector<1024x1024xf32>
    %sub3A_38 = arith.subf %sub3A_14, %sub3A_37 : vector<1024x1024xf32>
    %swap3A = arith.constant 0 : index
    %swap3A_39 = arith.constant 0 : index
    %swap3A_40 = arith.constant 0 : index
    %swap3A_41 = vector.load %arg2[%swap3A, %swap3A_39, %swap3A_40] : memref<1x1024x1024xf32, #tpu.memory_space<vmem>>, vector<1x1024x1024xf32>
    %swap3A_42 = vector.shape_cast %swap3A_41 : vector<1x1024x1024xf32> to vector<1024x1024xf32>
    %swap3A_43 = vector.shape_cast %sub3A_38 : vector<1024x1024xf32> to vector<1x1024x1024xf32>
    tpu.vector_store %arg2[%swap3A, %swap3A_39, %swap3A_40], %swap3A_43 {strides = array<i32>} : memref<1x1024x1024xf32, #tpu.memory_space<vmem>>, vector<1x1024x1024xf32>,
    return
  }
  func.func @transform_0(%arg0: i32) -> (i32, i32, i32) {
    %c0_i32 = arith.constant 0 : i32
    %c0_i32_0 = arith.constant 0 : i32
    %c0_i32_1 = arith.constant 0 : i32
    return %arg0, %c0_i32, %c0_i32_0 : i32, i32, i32
  }
  func.func @transform_1(%arg0: i32) -> (i32, i32, i32) {
    %c0_i32 = arith.constant 0 : i32
    %c0_i32_0 = arith.constant 0 : i32
    %c0_i32_1 = arith.constant 0 : i32
    return %arg0, %c0_i32, %c0_i32_0 : i32, i32, i32
  }
}

module attributes {stable_mosaic.version = 14 : i64} {
  func.func @_bn_stats_kernel(%arg0: memref<8192x256xf32, #tpu.memory_space<vmem>>, %arg1: memref<8192x64xf32, #tpu.memory_space<vmem>>, %arg2: memref<64xf32, #tpu.memory_space<vmem>>, %arg3: memref<64xf32, #tpu.memory_space<vmem>>) attributes {dimension_semantics = [], scalar_prefetch = 0 : i64, scratch_operands = 0 : i64, tpu.core_type = #tpu.core_type<tc>} {
    %get3A = arith.constant 0 : index
    %get3A_0 = arith.constant 128 : index
    %get3A_1 = vector.load %arg0[%get3A, %get3A_0] : memref<8192x256xf32, #tpu.memory_space<vmem>>, vector<8192x64xf32>
    %get3A_2 = arith.constant 0 : index
    %get3A_3 = arith.constant 192 : index
    %get3A_4 = vector.load %arg0[%get3A_2, %get3A_3] : memref<8192x256xf32, #tpu.memory_space<vmem>>, vector<8192x64xf32>
    %get3A_5 = arith.constant 0 : index
    %get3A_6 = arith.constant 0 : index
    %get3A_7 = vector.load %arg1[%get3A_5, %get3A_6] : memref<8192x64xf32, #tpu.memory_space<vmem>>, vector<8192x64xf32>
    %reduce_sum3A = arith.constant dense<0.000000e+00> : vector<64xf32>
    %reduce_sum3A_8 = vector.multi_reduction <add>, %get3A_1, %reduce_sum3A [0] : vector<8192x64xf32> to vector<64xf32>
    %reduce_sum3A_9 = arith.constant dense<0.000000e+00> : vector<64xf32>
    %reduce_sum3A_10 = vector.multi_reduction <add>, %get3A_7, %reduce_sum3A_9 [0] : vector<8192x64xf32> to vector<64xf32>
    %mul3A = arith.constant 4.000000e+01 : f32
    %mul3A_11 = vector.broadcast %mul3A : f32 to vector<64xf32>
    %mul3A_12 = arith.mulf %mul3A_11, %reduce_sum3A_10 : vector<64xf32>
    %add3A = arith.addf %reduce_sum3A_8, %mul3A_12 : vector<64xf32>
    %div3A = arith.constant 3.276800e+05 : f32
    %div3A_13 = vector.broadcast %div3A : f32 to vector<64xf32>
    %div3A_14 = arith.divf %add3A, %div3A_13 : vector<64xf32>
    %reduce_sum3A_15 = arith.constant dense<0.000000e+00> : vector<64xf32>
    %reduce_sum3A_16 = vector.multi_reduction <add>, %get3A_4, %reduce_sum3A_15 [0] : vector<8192x64xf32> to vector<64xf32>
    %mul3A_17 = arith.mulf %get3A_7, %get3A_1 : vector<8192x64xf32>
    %reduce_sum3A_18 = arith.constant dense<0.000000e+00> : vector<64xf32>
    %reduce_sum3A_19 = vector.multi_reduction <add>, %mul3A_17, %reduce_sum3A_18 [0] : vector<8192x64xf32> to vector<64xf32>
    %mul3A_20 = arith.constant 2.000000e+00 : f32
    %mul3A_21 = vector.broadcast %mul3A_20 : f32 to vector<64xf32>
    %mul3A_22 = arith.mulf %mul3A_21, %reduce_sum3A_19 : vector<64xf32>
    %add3A_23 = arith.addf %reduce_sum3A_16, %mul3A_22 : vector<64xf32>
    %mul3A_24 = arith.mulf %get3A_7, %get3A_7 : vector<8192x64xf32>
    %reduce_sum3A_25 = arith.constant dense<0.000000e+00> : vector<64xf32>
    %reduce_sum3A_26 = vector.multi_reduction <add>, %mul3A_24, %reduce_sum3A_25 [0] : vector<8192x64xf32> to vector<64xf32>
    %mul3A_27 = arith.constant 4.000000e+01 : f32
    %mul3A_28 = vector.broadcast %mul3A_27 : f32 to vector<64xf32>
    %mul3A_29 = arith.mulf %mul3A_28, %reduce_sum3A_26 : vector<64xf32>
    %add3A_30 = arith.addf %add3A_23, %mul3A_29 : vector<64xf32>
    %div3A_31 = arith.constant 3.276800e+05 : f32
    %div3A_32 = vector.broadcast %div3A_31 : f32 to vector<64xf32>
    %div3A_33 = arith.divf %add3A_30, %div3A_32 : vector<64xf32>
    %mul3A_34 = arith.mulf %div3A_14, %div3A_14 : vector<64xf32>
    %sub3A = arith.subf %div3A_33, %mul3A_34 : vector<64xf32>
    %swap3A = arith.constant 0 : index
    %swap3A_35 = vector.load %arg2[%swap3A] : memref<64xf32, #tpu.memory_space<vmem>>, vector<64xf32>
    tpu.vector_store %arg2[%swap3A], %div3A_14 {strides = array<i32>} : memref<64xf32, #tpu.memory_space<vmem>>, vector<64xf32>,
    %add3A_36 = arith.constant 9.99999974E-6 : f32
    %add3A_37 = vector.broadcast %add3A_36 : f32 to vector<64xf32>
    %add3A_38 = arith.addf %sub3A, %add3A_37 : vector<64xf32>
    %rsqrt3A = math.rsqrt %add3A_38 : vector<64xf32>
    %swap3A_39 = arith.constant 0 : index
    %swap3A_40 = vector.load %arg3[%swap3A_39] : memref<64xf32, #tpu.memory_space<vmem>>, vector<64xf32>
    tpu.vector_store %arg3[%swap3A_39], %rsqrt3A {strides = array<i32>} : memref<64xf32, #tpu.memory_space<vmem>>, vector<64xf32>,
    return
  }
}

module attributes {stable_mosaic.version = 14 : i64} {
  func.func @_final_kernel(%arg0: i32, %arg1: memref<1x1024x64xf32, #tpu.memory_space<vmem>>, %arg2: memref<1x1024x256xf32, #tpu.memory_space<vmem>>, %arg3: memref<1x1024x64xf32, #tpu.memory_space<vmem>>, %arg4: memref<64xf32, #tpu.memory_space<vmem>>, %arg5: memref<64xf32, #tpu.memory_space<vmem>>, %arg6: memref<64xf32, #tpu.memory_space<vmem>>, %arg7: memref<64xf32, #tpu.memory_space<vmem>>, %arg8: memref<128x1024xf32, #tpu.memory_space<vmem>>, %arg9: memref<1024xf32, #tpu.memory_space<vmem>>, %arg10: memref<1x1x1024xf32, #tpu.memory_space<vmem>>) attributes {dimension_semantics = [#tpu.dimension_semantics<arbitrary>], iteration_bounds = array<i64: 8>, scalar_prefetch = 0 : i64, scratch_operands = 0 : i64, tpu.core_type = #tpu.core_type<tc>, window_params = [{transform_indices = @transform_0, window_bounds = array<i64: 1, 1024, 64>}, {transform_indices = @transform_1, window_bounds = array<i64: 1, 1024, 256>}, {transform_indices = @transform_2, window_bounds = array<i64: 1, 1024, 64>}, {pipeline_mode = #tpu.pipeline_mode<synchronous>, transform_indices = @transform_3, window_bounds = array<i64: 64>}, {pipeline_mode = #tpu.pipeline_mode<synchronous>, transform_indices = @transform_4, window_bounds = array<i64: 64>}, {pipeline_mode = #tpu.pipeline_mode<synchronous>, transform_indices = @transform_5, window_bounds = array<i64: 64>}, {pipeline_mode = #tpu.pipeline_mode<synchronous>, transform_indices = @transform_6, window_bounds = array<i64: 64>}, {pipeline_mode = #tpu.pipeline_mode<synchronous>, transform_indices = @transform_7, window_bounds = array<i64: 128, 1024>}, {pipeline_mode = #tpu.pipeline_mode<synchronous>, transform_indices = @transform_8, window_bounds = array<i64: 1024>}, {transform_indices = @transform_9, window_bounds = array<i64: 1, 1, 1024>}]} {
    %get3A = arith.constant 0 : index
    %get3A_0 = arith.constant 0 : index
    %get3A_1 = arith.constant 0 : index
    %get3A_2 = vector.load %arg2[%get3A, %get3A_0, %get3A_1] : memref<1x1024x256xf32, #tpu.memory_space<vmem>>, vector<1x1024x64xf32>
    %get3A_3 = vector.shape_cast %get3A_2 : vector<1x1024x64xf32> to vector<1024x64xf32>
    %get3A_4 = arith.constant 0 : index
    %get3A_5 = arith.constant 0 : index
    %get3A_6 = arith.constant 64 : index
    %get3A_7 = vector.load %arg2[%get3A_4, %get3A_5, %get3A_6] : memref<1x1024x256xf32, #tpu.memory_space<vmem>>, vector<1x1024x64xf32>
    %get3A_8 = vector.shape_cast %get3A_7 : vector<1x1024x64xf32> to vector<1024x64xf32>
    %get3A_9 = arith.constant 0 : index
    %get3A_10 = arith.constant 0 : index
    %get3A_11 = arith.constant 0 : index
    %get3A_12 = vector.load %arg3[%get3A_9, %get3A_10, %get3A_11] : memref<1x1024x64xf32, #tpu.memory_space<vmem>>, vector<1x1024x64xf32>
    %get3A_13 = vector.shape_cast %get3A_12 : vector<1x1024x64xf32> to vector<1024x64xf32>
    %get3A_14 = arith.constant 0 : index
    %get3A_15 = vector.load %arg6[%get3A_14] : memref<64xf32, #tpu.memory_space<vmem>>, vector<64xf32>
    %get3A_16 = arith.constant 0 : index
    %get3A_17 = vector.load %arg7[%get3A_16] : memref<64xf32, #tpu.memory_space<vmem>>, vector<64xf32>
    %ge3A = arith.constant 0.000000e+00 : f32
    %ge3A_18 = vector.broadcast %ge3A : f32 to vector<64xf32>
    %ge3A_19 = arith.cmpf oge, %get3A_15, %ge3A_18 : vector<64xf32>
    %broadcast_in_dim3A = vector.shape_cast %ge3A_19 : vector<64xi1> to vector<1x64xi1>
    %add3A = arith.addf %get3A_3, %get3A_13 : vector<1024x64xf32>
    %add3A_20 = arith.addf %get3A_8, %get3A_13 : vector<1024x64xf32>
    %broadcast_in_dim3A_21 = vector.shape_cast %broadcast_in_dim3A : vector<1x64xi1> to vector<1x64xi1>
    %broadcast_in_dim3A_22 = vector.broadcast %broadcast_in_dim3A_21 : vector<1x64xi1> to vector<1024x64xi1>
    %select_n3A = arith.select %broadcast_in_dim3A_22, %add3A, %add3A_20 : vector<1024x64xi1>, vector<1024x64xf32>
    %broadcast_in_dim3A_23 = vector.shape_cast %get3A_15 : vector<64xf32> to vector<1x64xf32>
    %get3A_24 = arith.constant 0 : index
    %get3A_25 = vector.load %arg4[%get3A_24] : memref<64xf32, #tpu.memory_space<vmem>>, vector<64xf32>
    %broadcast_in_dim3A_26 = vector.shape_cast %get3A_25 : vector<64xf32> to vector<1x64xf32>
    %sub3A = vector.broadcast %broadcast_in_dim3A_26 : vector<1x64xf32> to vector<1024x64xf32>
    %sub3A_27 = arith.subf %select_n3A, %sub3A : vector<1024x64xf32>
    %mul3A = vector.broadcast %broadcast_in_dim3A_23 : vector<1x64xf32> to vector<1024x64xf32>
    %mul3A_28 = arith.mulf %mul3A, %sub3A_27 : vector<1024x64xf32>
    %get3A_29 = arith.constant 0 : index
    %get3A_30 = vector.load %arg5[%get3A_29] : memref<64xf32, #tpu.memory_space<vmem>>, vector<64xf32>
    %broadcast_in_dim3A_31 = vector.shape_cast %get3A_30 : vector<64xf32> to vector<1x64xf32>
    %mul3A_32 = vector.broadcast %broadcast_in_dim3A_31 : vector<1x64xf32> to vector<1024x64xf32>
    %mul3A_33 = arith.mulf %mul3A_28, %mul3A_32 : vector<1024x64xf32>
    %broadcast_in_dim3A_34 = vector.shape_cast %get3A_17 : vector<64xf32> to vector<1x64xf32>
    %add3A_35 = vector.broadcast %broadcast_in_dim3A_34 : vector<1x64xf32> to vector<1024x64xf32>
    %add3A_36 = arith.addf %mul3A_33, %add3A_35 : vector<1024x64xf32>
    %ge3A_37 = arith.constant 0.000000e+00 : f32
    %ge3A_38 = vector.broadcast %ge3A_37 : f32 to vector<1024x64xf32>
    %ge3A_39 = arith.cmpf oge, %add3A_36, %ge3A_38 : vector<1024x64xf32>
    %mul3A_40 = arith.constant 2.000000e-01 : f32
    %mul3A_41 = vector.broadcast %mul3A_40 : f32 to vector<1024x64xf32>
    %mul3A_42 = arith.mulf %mul3A_41, %add3A_36 : vector<1024x64xf32>
    %select_n3A_43 = arith.select %ge3A_39, %add3A_36, %mul3A_42 : vector<1024x64xi1>, vector<1024x64xf32>
    %get3A_44 = arith.constant 0 : index
    %get3A_45 = arith.constant 0 : index
    %get3A_46 = arith.constant 0 : index
    %get3A_47 = vector.load %arg1[%get3A_44, %get3A_45, %get3A_46] : memref<1x1024x64xf32, #tpu.memory_space<vmem>>, vector<1x1024x64xf32>
    %get3A_48 = vector.shape_cast %get3A_47 : vector<1x1024x64xf32> to vector<1024x64xf32>
    %concatenate3A = tpu.concatenate %get3A_48, %select_n3A_43 in 1 : vector<1024x64xf32>, vector<1024x64xf32> -> vector<1024x128xf32>
    %get3A_49 = arith.constant 0 : index
    %get3A_50 = arith.constant 0 : index
    %get3A_51 = vector.load %arg8[%get3A_49, %get3A_50] : memref<128x1024xf32, #tpu.memory_space<vmem>>, vector<128x1024xf32>
    %dot_general3A = arith.constant dense<0.000000e+00> : vector<1024x1024xf32>
    %dot_general3A_52 = tpu.matmul %concatenate3A, %get3A_51, %dot_general3A {dimension_numbers = #tpu.dot_dimension_numbers<[1], [0], [0], [1], [0, 0, 1, 1], [], []>, transpose_lhs_hint = false} : vector<1024x128xf32>, vector<128x1024xf32>, vector<1024x1024xf32> -> vector<1024x1024xf32>
    %get3A_53 = arith.constant 0 : index
    %get3A_54 = vector.load %arg9[%get3A_53] : memref<1024xf32, #tpu.memory_space<vmem>>, vector<1024xf32>
    %broadcast_in_dim3A_55 = vector.shape_cast %get3A_54 : vector<1024xf32> to vector<1x1024xf32>
    %add3A_56 = vector.broadcast %broadcast_in_dim3A_55 : vector<1x1024xf32> to vector<1024x1024xf32>
    %add3A_57 = arith.addf %dot_general3A_52, %add3A_56 : vector<1024x1024xf32>
    %reduce_max3A = arith.constant dense<0xFF800000> : vector<1024xf32>
    %reduce_max3A_58 = vector.multi_reduction <maximumf>, %add3A_57, %reduce_max3A [0] : vector<1024x1024xf32> to vector<1024xf32>
    %swap3A = arith.constant 0 : index
    %swap3A_59 = arith.constant 0 : index
    %swap3A_60 = arith.constant 0 : index
    %swap3A_61 = vector.load %arg10[%swap3A, %swap3A_59, %swap3A_60] : memref<1x1x1024xf32, #tpu.memory_space<vmem>>, vector<1x1x1024xf32>
    %swap3A_62 = vector.shape_cast %swap3A_61 : vector<1x1x1024xf32> to vector<1024xf32>
    %swap3A_63 = vector.shape_cast %reduce_max3A_58 : vector<1024xf32> to vector<1x1x1024xf32>
    tpu.vector_store %arg10[%swap3A, %swap3A_59, %swap3A_60], %swap3A_63 {strides = array<i32>} : memref<1x1x1024xf32, #tpu.memory_space<vmem>>, vector<1x1x1024xf32>,
    return
  }
  func.func @transform_0(%arg0: i32) -> (i32, i32, i32) {
    %c0_i32 = arith.constant 0 : i32
    %c0_i32_0 = arith.constant 0 : i32
    %c0_i32_1 = arith.constant 0 : i32
    return %arg0, %c0_i32, %c0_i32_0 : i32, i32, i32
  }
  func.func @transform_1(%arg0: i32) -> (i32, i32, i32) {
    %c0_i32 = arith.constant 0 : i32
    %c0_i32_0 = arith.constant 0 : i32
    %c0_i32_1 = arith.constant 0 : i32
    return %arg0, %c0_i32, %c0_i32_0 : i32, i32, i32
  }
  func.func @transform_2(%arg0: i32) -> (i32, i32, i32) {
    %c0_i32 = arith.constant 0 : i32
    %c0_i32_0 = arith.constant 0 : i32
    %c0_i32_1 = arith.constant 0 : i32
    return %arg0, %c0_i32, %c0_i32_0 : i32, i32, i32
  }
  func.func @transform_3(%arg0: i32) -> i32 {
    %c0_i32 = arith.constant 0 : i32
    %c0_i32_0 = arith.constant 0 : i32
    return %c0_i32 : i32
  }
  func.func @transform_4(%arg0: i32) -> i32 {
    %c0_i32 = arith.constant 0 : i32
    %c0_i32_0 = arith.constant 0 : i32
    return %c0_i32 : i32
  }
  func.func @transform_5(%arg0: i32) -> i32 {
    %c0_i32 = arith.constant 0 : i32
    %c0_i32_0 = arith.constant 0 : i32
    return %c0_i32 : i32
  }
  func.func @transform_6(%arg0: i32) -> i32 {
    %c0_i32 = arith.constant 0 : i32
    %c0_i32_0 = arith.constant 0 : i32
    return %c0_i32 : i32
  }
  func.func @transform_7(%arg0: i32) -> (i32, i32) {
    %c0_i32 = arith.constant 0 : i32
    %c0_i32_0 = arith.constant 0 : i32
    %c0_i32_1 = arith.constant 0 : i32
    return %c0_i32, %c0_i32_0 : i32, i32
  }
  func.func @transform_8(%arg0: i32) -> i32 {
    %c0_i32 = arith.constant 0 : i32
    %c0_i32_0 = arith.constant 0 : i32
    return %c0_i32 : i32
  }
  func.func @transform_9(%arg0: i32) -> (i32, i32, i32) {
    %c0_i32 = arith.constant 0 : i32
    %c0_i32_0 = arith.constant 0 : i32
    %c0_i32_1 = arith.constant 0 : i32
    return %arg0, %c0_i32, %c0_i32_0 : i32, i32, i32
  }
}

</mosaic_0001>

<sc_bundles>
// kernel: kernel.10.cloned.1.call-start
scs
__scs_entry_jumppad:
0x0: {  	(pc) =	sbr.rel $0x88, $3  }
0x1: {  	(tag) =	ssettag $0x0;
	lr =	simm.s32 $0x1  }
0x2: {  	[smem:$0x3F98] =	sst lr;
	_ =	strace $0xD0000000  }
0x3: {  	_ = 	snop  }
0x4: {  	_ = 	snop  }
0x5: {  	_ = 	snop  }
0x6: {  	_ = 	snop  }
0x7: {  	_ = 	snop  }
__scs_overlays_trampoline_lowered:
0x8: {  	[smem:$0x3FA7] =	sst s0  }
0x9: {  	[smem:$0x3FA8] =	sst s1  }
0xa: {  	[smem:$0x3FA9] =	sst s2  }
0xb: {  	[smem:$0x3FAA] =	sst s3  }
0xc: {  	[smem:$0x3FAB] =	sst s4  }
0xd: {  	[smem:$0x3FAC] =	sst s5  }
0xe: {  	[smem:$0x3FAD] =	sst s6  }
0xf: {  	[smem:$0x3FAE] =	sst s7  }
0x10: {  	[smem:$0x3FAF] =	sst s8  }
0x11: {  	[smem:$0x3FB0] =	sst s9;
	s0 =	simm.s32 @!p0 $0x0  }
0x12: {  	s1 =	sld [smem:$0x3F96];
	s0 =	simm.s32 @p0 $0x1  }
0x13: {  	[smem:$0x3FB1] =	sst s0;
	s0 =	simm.s32 @!p1 $0x0  }
0x14: {  	s2 =	sld [smem:$0x3F95];
	s0 =	simm.s32 @p1 $0x1  }
0x15: {  	[smem:$0x3FB2] =	sst s0;
	s0 =	simm.s32 @!p2 $0x0  }
0x16: {  	s3 =	sld [smem:$0x3FDB];
	s0 =	simm.s32 @p2 $0x1  }
0x17: {  	s4 =	simm.s32 $0x1BF5;
	[smem:$0x3FB4] =	sst s0  }
0x18: {  	s0 =	sld [smem:$0x3F97];
	_ =	swait.ge [sflag:s4], $0x0  }
0x19: {  	s7 =	sld [smem:$0x3F98]  }
0x1a: {  	s8 =	sadd.s32 $0xFFFFE003, lr  }
0x1b: {  	s9 =	sadd.s32 $0xFFFFFEF7, lr;
	s5 =	simm.s32 $0xFFFFFFFF;
	p2 =	slt.u32 s8, $0xFFFFF086  }
0x1c: {  	p1 =	slt.u32 s9, $0xF7A;
	s5 =	simm.s32 @!p2 $0x0  }
0x1d: {  	s5 =	simm.s32 @p1 $0x1;
	p0 =	seq.s32 s7, s2  }
0x1e: {  	s7 =	smul.u32 @!p0 $0xF7A, s2;
	p2 =	seq.s32 @!p0 s5, $0x0  }
0x1f: {  	s9 =	smul.u32 $0xF7A, s1;
	s8 =	simm.s32 @!p0 $0x1BF5;
	p2 =	por !p2, p0  }
0x20: {  	[sflag:s8] =	ssyncset.s32 @!p0 $0xFFFFF086;
	s6 =	sadd.s32 @!p0 s3, s7;
	s7 =	simm.s32 @!p0 $0x108  }
0x21: {  	s3 =	sadd.s32 s3, s9;
	s6 =	sadd.s32 @!p0 $0x88, s6;
	s7 =	simm.s32 @p2 $0x1082  }
0x22: {  	[simem:s7], [sflag:s8] =	dma.local @!p0 [hbm:s6], $0xF7A  }
0x23: {  	s9 =	sor.u32 $0xD0000000, s2;
	s6 =	simm.s32 $0x108;
	_ =	swait.ge @!p0 [sflag:s8], $0x0  }
0x24: {  	s3 =	sadd.s32 $0x88, s3;
	s6 =	simm.s32 @!p1 $0x1082;
	[sflag:s4] =	ssyncset.s32 $0xFFFFF086  }
0x25: {  	[simem:s6], [sflag:s4] =	dma.local [hbm:s3], $0xF7A  }
0x26: {  	[smem:$0x3F98] =	sst s1;
	(tag) =	ssettag s2;
	_ =	strace s9  }
0x27: {  	s1 =	sld [smem:$0x3FA8]  }
0x28: {  	s2 =	sld [smem:$0x3FA9]  }
0x29: {  	s4 =	sld [smem:$0x3FAB]  }
0x2a: {  	p0 =	seq.s32 s5, $0x0;
	s5 =	sld [smem:$0x3FAC]  }
0x2b: {  	s6 =	sld [smem:$0x3FAD]  }
0x2c: {  	s7 =	sld [smem:$0x3FAE]  }
0x2d: {  	s3 =	simm.s32 $0x108;
	s8 =	sld [smem:$0x3FAF]  }
0x2e: {  	s3 =	simm.s32 @!p0 $0x1082;
	s9 =	sld [smem:$0x3FB0]  }
0x2f: {  	lr =	sadd.s32 s0, s3;
	s0 =	sld [smem:$0x3FA7]  }
0x30: {  	s3 =	sld [smem:$0x3FAA]  }
0x31: {  	[smem:$0x3FB3] =	sst s10  }
0x32: {  	s10 =	sld [smem:$0x3FB1];
	_ =	sdelay $0x3  }
0x33: {  	p0 =	seq.s32 s10, $0x1;
	s10 =	sld [smem:$0x3FB3];
	_ =	sdelay $0x3  }
0x34: {  	[smem:$0x3FB3] =	sst s10  }
0x35: {  	s10 =	sld [smem:$0x3FB2];
	_ =	sdelay $0x3  }
0x36: {  	p1 =	seq.s32 s10, $0x1;
	s10 =	sld [smem:$0x3FB3];
	_ =	sdelay $0x3  }
0x37: {  	[smem:$0x3FB3] =	sst s10  }
0x38: {  	s10 =	sld [smem:$0x3FB4]  }
0x39: {  	_ = 	snop;
	(pc) =	sbr.ind lr, $3  }
0x3a: {  	_ = 	snop  }
0x3b: {  	_ = 	snop  }
0x3c: {  	p2 =	seq.s32 s10, $0x1;
	s10 =	sld [smem:$0x3FB3]  }
0x3d: {  	_ =	shalt  }
0x3e: {  	_ =	shalt  }
0x3f: {  	_ =	shalt  }
0x40: {  	_ =	shalt  }
0x41: {  	_ =	shalt  }
0x42: {  	_ =	shalt  }
0x43: {  	_ =	shalt  }
0x44: {  	_ =	shalt  }
0x45: {  	_ =	shalt  }
0x46: {  	_ =	shalt  }
0x47: {  	_ =	shalt  }
0x48: {  	_ =	shalt  }
0x49: {  	_ =	shalt  }
0x4a: {  	_ =	shalt  }
0x4b: {  	_ =	shalt  }
0x4c: {  	_ =	shalt  }
0x4d: {  	_ =	shalt  }
0x4e: {  	_ =	shalt  }
0x4f: {  	_ =	shalt  }
0x50: {  	_ =	shalt  }
0x51: {  	_ =	shalt  }
0x52: {  	_ =	shalt  }
0x53: {  	_ =	shalt  }
0x54: {  	_ =	shalt  }
0x55: {  	_ =	shalt  }
0x56: {  	_ =	shalt  }
0x57: {  	_ =	shalt  }
0x58: {  	_ =	shalt  }
0x59: {  	_ =	shalt  }
0x5a: {  	_ =	shalt  }
0x5b: {  	_ =	shalt  }
0x5c: {  	_ =	shalt  }
0x5d: {  	_ =	shalt  }
0x5e: {  	_ =	shalt  }
0x5f: {  	_ =	shalt  }
0x60: {  	_ =	shalt  }
0x61: {  	_ =	shalt  }
0x62: {  	_ =	shalt  }
0x63: {  	_ =	shalt  }
0x64: {  	_ =	shalt  }
0x65: {  	_ =	shalt  }
0x66: {  	_ =	shalt  }
0x67: {  	_ =	shalt  }
0x68: {  	_ =	shalt  }
0x69: {  	_ =	shalt  }
0x6a: {  	_ =	shalt  }
0x6b: {  	_ =	shalt  }
0x6c: {  	_ =	shalt  }
0x6d: {  	_ =	shalt  }
0x6e: {  	_ =	shalt  }
0x6f: {  	_ =	shalt  }
0x70: {  	_ =	shalt  }
0x71: {  	_ =	shalt  }
0x72: {  	_ =	shalt  }
0x73: {  	_ =	shalt  }
0x74: {  	_ =	shalt  }
0x75: {  	_ =	shalt  }
0x76: {  	_ =	shalt  }
0x77: {  	_ =	shalt  }
0x78: {  	_ =	shalt  }
0x79: {  	_ =	shalt  }
0x7a: {  	_ =	shalt  }
0x7b: {  	_ =	shalt  }
0x7c: {  	_ =	shalt  }
0x7d: {  	_ =	shalt  }
0x7e: {  	_ =	shalt  }
0x7f: {  	_ =	shalt  }
0x80: {  	_ =	shalt  }
0x81: {  	_ =	shalt  }
0x82: {  	_ =	shalt  }
0x83: {  	_ =	shalt  }
0x84: {  	_ =	shalt  }
0x85: {  	_ =	shalt  }
0x86: {  	_ =	shalt  }
0x87: {  	_ =	shalt  }
.Lfunc_end0:
.L_simem_size_0:
called_computation_lowered:
.L_overlay_start_0:
0x88: {  	s2 =	sld [smem:$0x3FD9]  }
0x89: {  	s3 =	sld [smem:$0x3FFE];
	_ =	sdelay $0x1  }
0x8a: {  	s1 =	srdreg.scid  }
0x8b: {  	s0 =	sand.u32 $0x1, s1  }
0x8c: {  	s16 =	sshll.u32 s0, $0xA;
	s2 =	sadd.s32 s3, s2  }
0x8d: {  	s2 =	sadd.s32 s2, s16  }
0x8e: {  	[smem:$0x3FBF] =	sst s2  }
0x8f: {  	_ = 	snop  }
0x90: {  	(tm) =	ssettm $0x1  }
0x91: {  	s17 =	sld [smem:$0x3FFB];
	_ =	sdelay $0x3  }
0x92: {  	_ =	strace s17  }
0x93: {  	s2 =	sld [smem:$0x3FFC];
	_ =	sdelay $0x3  }
0x94: {  	_ =	strace s2  }
0x95: {  	s2 =	sld [smem:$0x3FFD];
	_ =	sdelay $0x3  }
0x96: {  	_ =	strace s2  }
0x97: {  	_ =	strace $0x8FFFFFFF  }
0x98: {  	s18 =	sld [smem:$0x3FDB];
	_ =	sdelay $0x1  }
0x99: {  	s19 =	simm.s32 $_scs_section_size  }
0x9a: {  	s4 =	simm.s32 $_size__tile_overlayer_lowered;
	s5 =	simm.s32 $_tile_overlayer_lowered  }
0x9b: {  	s22 =	simm.s32 $0x1BFF;
	s21 =	sshll.u32 s5, $0x1;
	s2 =	sadd.s32 s19, s18  }
0x9c: {  	s6 =	simm.s32 $0x0;
	s20 =	sshll.u32 s4, $0x1;
	s4 =	sadd.s32 s21, s2  }
0x9d: {  	[timem:s6], [sflag:s22] =	dma.local [hbm:s4], s20  }
0x9e: {  	_ =	swait.ge [sflag:s22], s20  }
0x9f: {  	s3 =	ssub.s32 $0x0, s20;
	[sflag:s22] =	ssyncset.done $0x0  }
0xa0: {  	[sflag:s22] =	ssyncadd.s32 s3;
	_ =	sdelay $0x1  }
0xa1: {  	s23 =	simm.s32 $0x1B8B  }
0xa2: {  	_ =	swait.ge [sflag:s23], $0x1  }
0xa3: {  	[sflag:s23] =	ssyncset.done $0x0  }
0xa4: {  	s25 =	simm.s32 $0x1B8E;
	s24 =	sld [smem:$0x3FFE];
	[sflag:s23] =	ssyncadd.s32 $0xFFFFFFFF  }
0xa5: {  	s26 =	simm.s32 $execute0_lowered;
	[smem:$0x3FD2] =	sst s25  }
0xa6: {  	s4 =	sshll.u32 s26, $0x1;
	_ =	strace $0x80000046;
	[dreg:$0x1] =	wrdreg $0xFFFFFFFF  }
0xa7: {  	s28 =	simm.s32 $_size_execute0_lowered;
	s2 =	sadd.s32 s2, s4;
	[dreg:$0x0] =	wrdreg $0x0  }
0xa8: {  	s4 =	sshll.u32 s28, $0x1;
	[dreg:$0x2] =	wrdreg s2  }
0xa9: {  	[dreg:$0x3] =	wrdreg s4  }
0xaa: {  	[dreg:$0x4] =	wrdreg $0xC0  }
0xab: {  	_ =	task [dreg:s6], $0x5FFFF  }
0xac: {  	[dreg:$0x1] =	wrdreg $0xFFFFFFFF  }
0xad: {  	[dreg:$0x0] =	wrdreg $0x60  }
0xae: {  	[dreg:$0x2] =	wrdreg s24  }
0xaf: {  	[dreg:$0x3] =	wrdreg $0x9  }
0xb0: {  	_ =	task.clear_ibuf [dreg:s6], $0x4FFFF;
	_ =	strace $0x90000046  }
0xb1: {  	s29 =	simm.s32 $0x9;
	_ =	strace $0x80000048  }
0xb2: {  	_ =	swait.ge [sflag:s29], $0x1  }
0xb3: {  	[sflag:s29] =	ssyncadd.s32 $0xFFFFFFFF  }
0xb4: {  	_ =	strace $0x90000048  }
0xb5: {  	_ =	sfence  }
0xb6: {  	s30 =	sld [smem:$0x0];
	_ =	sdelay $0x2  }
0xb7: {  	s31 =	sshll.u32 s1, $0xD;
	s1 =	sshrl.u32 s1, $0x2  }
0xb8: {  	s3 =	sand.u32 $0x4000, s31;
	s1 =	sadd.s32 s1, s30  }
0xb9: {  	s0 =	sor.u32 s3, s0;
	s1 =	sshll.u32 s1, $0x11  }
0xba: {  	s0 =	sor.u32 s1, s0  }
0xbb: {  	s0 =	sadd.s32 $0x8F2B, s0  }
0xbc: {  	[sflag:s0] =	ssyncadd.remote.s32 $0x1  }
0xbd: {  	_ =	sfence.sel $0xFFFF  }
0xbe: {  	[dreg:$0x0] =	wrdreg $0xFFFFFFFF;
	(pc) =	sbr.abs _section_cstart, $3  }
0xbf: {  	[dreg:$0x1] =	wrdreg $0xFFFFFFFF  }
0xc0: {  	_ =	task.clear_ibuf [dreg:s6], $0x2FFFF;
	_ =	strace $0x9FFFFFFF  }
0xc1: {  	(tm) =	ssettm $0x7FFFFFFF  }
tec
execute0_lowered:
.L_overlay_start_1:
0x0: {  	(tag) =	ssettag $0x1  }
0x1: {  	s5 =	rddreg [dreg:$0x0]  }
0x2: {  	s0 =	rddreg [dreg:$0x1];
	s1 =	simm.s32 $0x0;
	s6 =	srdreg.scid  }
0x3: {  	s2 =	stileid.u32;
	s10 =	simm.s32 $0x80;
	s11 =	simm.s32 $0x400  }
0x4: {  	s12 =	simm.s32 $0x1;
	s13 =	simm.s32 $0x28;
	s14 =	simm.s32 $0x800  }
0x5: {  	s15 =	simm.s32 $0x880;
	s16 =	simm.s32 $0x3;
	s17 =	simm.s32 $0x1C80  }
0x6: {  	s18 =	simm.s32 $0x2;
	s19 =	simm.s32 $0x3080;
	s20 =	simm.s32 $0x4  }
0x7: {  	s21 =	simm.s32 $0x5;
	s22 =	simm.s32 $0x0;
	[smem:$0x7FF] =	sst s1  }
0x8: {  	s3 =	sadd.s32 $0x22A00, s5;
	s4 =	sadd.s32 $0x122A00, s5;
	s6 =	sand.u32 $0x1, s6  }
0x9: {  	s8 =	sshll.u32 s2, $0x9;
	s7 =	ssub.s32 $0x2, s6;
	s6 =	sshll.u32 s6, $0x8  }
0xa: {  	s5 =	sadd.s32 $0x142A00, s5;
	s9 =	sshrl.u32 s7, $0x1;
	s6 =	sor.u32 s6, s8  }
0xb: {  	_ =	strace $0x80000047;
	s9 =	ssub.s32 s7, s9;
	s31 =	sshll.u32 s6, $0x7  }
0xc: {  	v0 =	vlaneseq.u32;
	v1 =	vimm.s32 $0x0;
	s7 =	sand.u32 $0x1C00, s8;
	s8 =	sadd.s32 s3, s31;
	s9 =	smax.u32 s9, $0x1  }
.LBB2_1:
0xd: {  	[tilespmem:s1], [sflag:$0x1] =	stream.strided.gather [hbm4b:s8+s10], $0x400, s11, s10, $0x38;
	[tilespmem:$0x4480] =	vst v63  }
0xe: {  	s23 =	simm.s32 $0x0  }
.LBB2_2:
0xf: {  	s24 =	sshll.u32 s23, $0x1  }
0x10: {  	s26 =	sshll.u32 s23, $0x5;
	s25 =	sor.u32 s6, s24  }
0x11: {  	s26 =	sand.u32 $0x60, s26;
	s28 =	sshll.u32 s25, $0x7  }
0x12: {  	_ =	swait.ge [sflag:s12], $0x400;
	s26 =	sadd.s32 s26, s3;
	s28 =	sand.u32 $0xFFC00, s28  }
0x13: {  	[sflag:s12] =	ssyncset.done $0x0;
	s26 =	sadd.s32 s28, s26  }
0x14: {  	[sflag:s12] =	ssyncadd.s32 $0xFFFFFC00;
	s28 =	simm.s32 $0x0;
	s26 =	sadd.s32 $0x10, s26  }
0x15: {  	[tilespmem:s11], [sflag:$0x2] =	stream.strided.gather [hbm4b:s26+s10], $0x400, s11, s10, $0x38;
	[tilespmem:$0x4480] =	vst v63  }
0x16: {  	v2 =	vld [tilespmem:s28+$0x0];
	_ =	sdelay $0x4  }
0x17: {  	vm0 =	vgt.f32 v2, $0.0e+00  }
0x18: {  	v2 =	vsel vm0, $0x1, v1  }
0x19: {  	(xrf0) =	vadd.scan.msk.s32 $0xffff, v2;
	_ =	sdelay $0x5  }
0x1a: {  	v3, _, _ =	vpop (xrf0)  }
0x1b: {  	s26 =	simm.s32 $0x0;
	v2 =	vor.u32 s7, v0;
	(v2sf) =	vpush v3, $0xF  }
0x1c: {  	s30 =	simm.s32 $0x10;
	s29 =	simm.s32 $0x80;
	s28 =	smov.u32 s7;
	[tilespmem:s26+$0x800] =	vst.msk vm0, v2  }
.LBB2_3:
0x1d: {  	p0 =	seq.s32 s29, $0xFC0;
	v3 =	vld [tilespmem:s30+$0x0];
	_ =	sdelay $0x4  }
0x1e: {  	vm0 =	vgt.f32 v3, $0.0e+00  }
0x1f: {  	v3 =	vsel vm0, $0x1, v1  }
0x20: {  	(xrf0) =	vadd.scan.msk.s32 $0xffff, v3;
	_ =	sdelay $0x3  }
.Ltmp0:
0x21: {  	(pc) =	sbr.rel @!p0 .LBB2_3-.Ltmp0, $4  }
0x22: {  	_ = 	snop  }
0x23: {  	s28 =	sadd.s32 $0x10, s28;
	v3, _, _ =	vpop (xrf0);
	s30 =	spop (v2sf)  }
0x24: {  	v4 =	vor.u32 s28, v0;
	(v2sf) =	vpush v3, $0xF;
	s26 =	sadd.s32 s26, s30  }
0x25: {  	s30 =	sshra.s32 s29, $0x2;
	s29 =	sadd.s32 $0x40, s29;
	[tilespmem:s26+$0x800] =	vst.msk vm0, v4  }
0x26: {  	v3 =	vld [tilespmem:s30+$0x0];
	_ =	sdelay $0x4  }
0x27: {  	vm0 =	vgt.f32 v3, $0.0e+00  }
0x28: {  	v3 =	vsel vm0, $0x1, v1  }
0x29: {  	(xrf0) =	vadd.scan.msk.s32 $0xffff, v3;
	_ =	sdelay $0x5  }
0x2a: {  	v3, _, _ =	vpop (xrf0)  }
0x2b: {  	(v2sf) =	vpush v3, $0xF;
	_ =	sdelay $0xd  }
0x2c: {  	s28 =	sadd.s32 $0x10, s28;
	s29 =	spop (v2sf)  }
0x2d: {  	v3 =	vor.u32 s28, v0;
	s26 =	sadd.s32 s26, s29;
	s28 =	spop (v2sf)  }
0x2e: {  	[tilespmem:s26+$0x800] =	vst.msk vm0, v3;
	s26 =	sadd.s32 s26, s28  }
0x2f: {  	p0 =	slt.s32 s26, $0x28  }
.Ltmp1:
0x30: {  	_ = 	snop;
	(pc) =	sbr.rel @!p0 .LBB2_6-.Ltmp1, $2  }
0x31: {  	_ =	sdelay $0x2  }
0x32: {  	s30 =	simm.s32 $0x0;
	s29 =	smov.u32 s7;
	s28 =	simm.s32 $0x0  }
.LBB2_5:
0x33: {  	v3 =	vld [tilespmem:s28+$0x0];
	_ =	sdelay $0x4  }
0x34: {  	vm0 =	veq.f32 v3, $0.0e+00  }
0x35: {  	v3 =	vsel vm0, $0x1, v1  }
0x36: {  	(xrf0) =	vadd.scan.msk.s32 $0xffff, v3;
	_ =	sdelay $0x2  }
0x37: {  	v3 =	vmov s26  }
0x38: {  	v3 =	vadd.s32 $0xFFFFFFFF, v3  }
0x39: {  	v3 =	vbroadcast v3, $0x0  }
0x3a: {  	v4, _, _ =	vpop (xrf0)  }
0x3b: {  	v3 =	vadd.s32 v4, v3  }
0x3c: {  	vm1 =	vlt.s32 v3, $0x28  }
0x3d: {  	vm0 =	vmand vm0, vm1  }
0x3e: {  	v3 =	vsel vm0, $0x1, v1  }
0x3f: {  	(xrf0) =	vadd.scan.msk.s32 $0xffff, v3;
	_ =	sdelay $0x5  }
0x40: {  	v3, _, _ =	vpop (xrf0)  }
0x41: {  	(v2sf) =	vpush v3, $0xF;
	_ =	sdelay $0xe  }
0x42: {  	v3 =	vor.u32 s29, v0;
	s31 =	spop (v2sf)  }
0x43: {  	p0 =	sgt.u32 s30, $0x3E;
	[tilespmem:s26+$0x800] =	vst.msk vm0, v3;
	s26 =	sadd.s32 s26, s31  }
0x44: {  	p1 =	slt.s32 @!p0 s26, $0x28  }
0x45: {  	p0 =	por p0, !p1  }
.Ltmp2:
0x46: {  	_ = 	snop;
	(pc) =	sbr.rel @!p0 .LBB2_5-.Ltmp2, $2  }
0x47: {  	_ =	sdelay $0x2  }
0x48: {  	s30 =	sadd.s32 $0x1, s30;
	s28 =	sadd.s32 $0x10, s28;
	s29 =	sadd.s32 $0x10, s29  }
.LBB2_6:
0x49: {  	[tilespmem:s15], [sflag:$0x3] =	stream.indirect.gather [hbm4b:s4+s13], $0x80, s14, s13, $0xb8;
	[tilespmem:$0x4480] =	vst v63  }
0x4a: {  	_ =	swait.ge [sflag:s16], $0x1400  }
0x4b: {  	p0 =	seq.s32 s23, $0x0;
	[sflag:s16] =	ssyncset.done $0x0  }
0x4c: {  	s26 =	simm.s32 @!p0 $0x4;
	[sflag:s16] =	ssyncadd.s32 $0xFFFFEC00  }
0x4d: {  	_ =	swait.ge @!p0 [sflag:s26], $0x1400  }
0x4e: {  	[sflag:s26] =	ssyncset.done @!p0 $0x0  }
0x4f: {  	[sflag:s26] =	ssyncadd.s32 @!p0 $0xFFFFEC00;
	s26 =	simm.s32 $0x0  }
0x50: {  	s28 =	simm.s32 $0x200;
	v3 =	vld [tilespmem:s26+$0x880]  }
.LBB2_7:
0x51: {  	p1 =	sne.s32 s28, $0x4E00  }
.Ltmp3:
0x52: {  	_ = 	snop;
	(pc) =	sbr.rel @p1 .LBB2_7-.Ltmp3, $3  }
0x53: {  	_ =	sdelay $0x1  }
0x54: {  	[tilespmem:s26+$0x1C80] =	vst v3;
	s26 =	sshra.s32 s28, $0x2;
	s28 =	sadd.s32 $0x200, s28  }
0x55: {  	v3 =	vld [tilespmem:s26+$0x880]  }
0x56: {  	_ =	sdelay $0x1  }
0x57: {  	s28 =	smul.u32 $0x280, s25  }
0x58: {  	s30 =	smin.u32 s25, $0x1FFD  }
0x59: {  	s25 =	sadd.s32 $0x2, s30;
	s28 =	sadd.s32 s5, s28;
	[tilespmem:s26+$0x1C80] =	vst v3;
	s26 =	simm.s32 $0x0  }
0x5a: {  	[hbm4b:s28+s26] =	stream.linear.scatter [tilespmem:s17], [sflag:$0x4], $0x1400, $0x38;
	[tilespmem:$0x4480] =	vst v63  }
0x5b: {  	s28 =	sshll.u32 s25, $0x4  }
0x5c: {  	s25 =	sshll.u32 s25, $0x7;
	_ =	swait.ge [sflag:s18], $0x400;
	s28 =	sand.u32 $0x70, s28  }
0x5d: {  	s25 =	sand.u32 $0x1FFC00, s25;
	[sflag:s18] =	ssyncset.done $0x0;
	s28 =	sadd.s32 s3, s28  }
0x5e: {  	s31 =	simm.s32 $0x0;
	[sflag:s18] =	ssyncadd.s32 $0xFFFFFC00;
	s25 =	sadd.s32 s25, s28  }
0x5f: {  	[tilespmem:s26], [sflag:$0x1] =	stream.strided.gather [hbm4b:s25+s10], $0x400, s11, s10, $0x38;
	[tilespmem:$0x4480] =	vst v63  }
0x60: {  	v3 =	vld [tilespmem:s31+$0x400];
	_ =	sdelay $0x4  }
0x61: {  	vm0 =	vgt.f32 v3, $0.0e+00  }
0x62: {  	v3 =	vsel vm0, $0x1, v1  }
0x63: {  	(xrf0) =	vadd.scan.msk.s32 $0xffff, v3;
	_ =	sdelay $0x5  }
0x64: {  	v3, _, _ =	vpop (xrf0)  }
0x65: {  	(v2sf) =	vpush v3, $0xF  }
0x66: {  	s29 =	simm.s32 $0x10;
	s28 =	simm.s32 $0x80;
	s25 =	smov.u32 s7;
	[tilespmem:s26+$0x800] =	vst.msk vm0, v2  }
.LBB2_9:
0x67: {  	p1 =	seq.s32 s28, $0xFC0;
	v2 =	vld [tilespmem:s29+$0x400];
	_ =	sdelay $0x4  }
0x68: {  	vm0 =	vgt.f32 v2, $0.0e+00  }
0x69: {  	v2 =	vsel vm0, $0x1, v1  }
0x6a: {  	(xrf0) =	vadd.scan.msk.s32 $0xffff, v2;
	_ =	sdelay $0x3  }
.Ltmp4:
0x6b: {  	(pc) =	sbr.rel @!p1 .LBB2_9-.Ltmp4, $4  }
0x6c: {  	_ = 	snop  }
0x6d: {  	s25 =	sadd.s32 $0x10, s25;
	v2, _, _ =	vpop (xrf0);
	s29 =	spop (v2sf)  }
0x6e: {  	v3 =	vor.u32 s25, v0;
	(v2sf) =	vpush v2, $0xF;
	s26 =	sadd.s32 s26, s29  }
0x6f: {  	s29 =	sshra.s32 s28, $0x2;
	s28 =	sadd.s32 $0x40, s28;
	[tilespmem:s26+$0x800] =	vst.msk vm0, v3  }
0x70: {  	v2 =	vld [tilespmem:s29+$0x400];
	_ =	sdelay $0x4  }
0x71: {  	vm0 =	vgt.f32 v2, $0.0e+00  }
0x72: {  	v2 =	vsel vm0, $0x1, v1  }
0x73: {  	(xrf0) =	vadd.scan.msk.s32 $0xffff, v2;
	_ =	sdelay $0x5  }
0x74: {  	v2, _, _ =	vpop (xrf0)  }
0x75: {  	(v2sf) =	vpush v2, $0xF;
	_ =	sdelay $0xd  }
0x76: {  	s28 =	spop (v2sf)  }
0x77: {  	s25 =	sadd.s32 $0x10, s25;
	s30 =	sadd.s32 s26, s28;
	s31 =	spop (v2sf)  }
0x78: {  	v2 =	vor.u32 s25, v0;
	s25 =	sadd.s32 s30, s31  }
0x79: {  	p1 =	slt.s32 s25, $0x28  }
.Ltmp5:
0x7a: {  	_ = 	snop;
	(pc) =	sbr.rel @!p1 .LBB2_13-.Ltmp5, $2  }
0x7b: {  	_ =	sdelay $0x2  }
0x7c: {  	[tilespmem:s30+$0x800] =	vst.msk vm0, v2  }
0x7d: {  	s29 =	simm.s32 $0x0;
	s26 =	simm.s32 $0x400;
	s28 =	smov.u32 s7  }
.LBB2_12:
0x7e: {  	v2 =	vld [tilespmem:s26+$0x0];
	_ =	sdelay $0x4  }
0x7f: {  	vm0 =	veq.f32 v2, $0.0e+00  }
0x80: {  	v2 =	vsel vm0, $0x1, v1  }
0x81: {  	(xrf0) =	vadd.scan.msk.s32 $0xffff, v2;
	_ =	sdelay $0x2  }
0x82: {  	v2 =	vmov s25  }
0x83: {  	v2 =	vadd.s32 $0xFFFFFFFF, v2  }
0x84: {  	v2 =	vbroadcast v2, $0x0  }
0x85: {  	v3, _, _ =	vpop (xrf0)  }
0x86: {  	v2 =	vadd.s32 v3, v2  }
0x87: {  	vm1 =	vlt.s32 v2, $0x28  }
0x88: {  	vm0 =	vmand vm0, vm1  }
0x89: {  	v2 =	vsel vm0, $0x1, v1  }
0x8a: {  	(xrf0) =	vadd.scan.msk.s32 $0xffff, v2;
	_ =	sdelay $0x5  }
0x8b: {  	v2, _, _ =	vpop (xrf0)  }
0x8c: {  	(v2sf) =	vpush v2, $0xF;
	_ =	sdelay $0xe  }
0x8d: {  	v2 =	vor.u32 s28, v0;
	s30 =	spop (v2sf)  }
0x8e: {  	p1 =	sgt.u32 s29, $0x3E;
	[tilespmem:s25+$0x800] =	vst.msk vm0, v2;
	s25 =	sadd.s32 s25, s30  }
0x8f: {  	p2 =	slt.s32 @!p1 s25, $0x28  }
0x90: {  	p1 =	por p1, !p2  }
.Ltmp6:
0x91: {  	_ = 	snop;
	(pc) =	sbr.rel @!p1 .LBB2_12-.Ltmp6, $2  }
0x92: {  	_ =	sdelay $0x2  }
0x93: {  	s29 =	sadd.s32 $0x1, s29;
	s26 =	sadd.s32 $0x10, s26;
	s28 =	sadd.s32 $0x10, s28  }
.LBB2_13:
0x94: {  	[tilespmem:s15], [sflag:$0x3] =	stream.indirect.gather [hbm4b:s4+s13], $0x80, s14, s13, $0xb8;
	[tilespmem:$0x4480] =	vst v63  }
0x95: {  	_ =	swait.ge [sflag:s16], $0x1400  }
0x96: {  	[sflag:s16] =	ssyncset.done $0x0  }
0x97: {  	s25 =	simm.s32 @!p0 $0x5;
	[sflag:s16] =	ssyncadd.s32 $0xFFFFEC00  }
0x98: {  	_ =	swait.ge @!p0 [sflag:s25], $0x1400  }
0x99: {  	[sflag:s25] =	ssyncset.done @!p0 $0x0  }
0x9a: {  	[sflag:s25] =	ssyncadd.s32 @!p0 $0xFFFFEC00;
	s25 =	simm.s32 $0x0  }
0x9b: {  	s24 =	sor.u32 $0x1, s24;
	s26 =	simm.s32 $0x200;
	v2 =	vld [tilespmem:s25+$0x880]  }
.LBB2_14:
0x9c: {  	p0 =	sne.s32 s26, $0x4E00  }
.Ltmp7:
0x9d: {  	_ = 	snop;
	(pc) =	sbr.rel @p0 .LBB2_14-.Ltmp7, $3  }
0x9e: {  	_ =	sdelay $0x1  }
0x9f: {  	[tilespmem:s25+$0x3080] =	vst v2;
	s25 =	sshra.s32 s26, $0x2;
	s26 =	sadd.s32 $0x200, s26  }
0xa0: {  	v2 =	vld [tilespmem:s25+$0x880]  }
0xa1: {  	s23 =	sadd.s32 $0x1, s23  }
0xa2: {  	p0 =	sne.s32 s23, $0x80  }
.Ltmp8:
0xa3: {  	s24 =	sadd.s32 s6, s24;
	(pc) =	sbr.rel @p0 .LBB2_2-.Ltmp8, $3  }
0xa4: {  	s24 =	smul.u32 $0x280, s24;
	_ =	sdelay $0x1  }
0xa5: {  	s24 =	sadd.s32 s5, s24;
	[tilespmem:s25+$0x3080] =	vst v2  }
0xa6: {  	[hbm4b:s24+s1] =	stream.linear.scatter [tilespmem:s19], [sflag:$0x5], $0x1400, $0x38;
	[tilespmem:$0x4480] =	vst v63  }
0xa7: {  	_ =	swait.ge [sflag:s12], $0x400  }
0xa8: {  	[sflag:s12] =	ssyncset.done $0x0  }
0xa9: {  	s22 =	sadd.s32 $0x1, s22;
	[sflag:s12] =	ssyncadd.s32 $0xFFFFFC00  }
0xaa: {  	p0 =	sne.s32 s22, s9;
	_ =	swait.ge [sflag:s20], $0x1400  }
.Ltmp9:
0xab: {  	[sflag:s20] =	ssyncset.done $0x0;
	(pc) =	sbr.rel @p0 .LBB2_1-.Ltmp9, $4  }
0xac: {  	[sflag:s20] =	ssyncadd.s32 $0xFFFFEC00  }
0xad: {  	_ =	swait.ge [sflag:s21], $0x1400  }
0xae: {  	[sflag:s21] =	ssyncset.done $0x0  }
0xaf: {  	[sflag:s21] =	ssyncadd.s32 $0xFFFFEC00  }
0xb0: {  	_ =	sfence.sel $0x180000  }
0xb1: {  	[bflag:$0x0] =	sbarrier.arrive $0xFFFF  }
0xb2: {  	p0 =	sne.s32 s2, $0x0;
	_ =	strace $0x90000047  }
0xb3: {  	s0 =	sadd.s32 @!p0 $0x100000, s0;
	[bflag:$0x2] =	sbarrier.arrive $0xFFFF  }
0xb4: {  	[sflag:s0] =	ssyncadd.tile.s32 @!p0 $0x1;
	_ =	shalt  }
.Lfunc_end2:
_tile_overlayer_lowered:
.L_overlay_start_2:
0xb5: {  	(tag) =	ssettag $0x2  }
0xb6: {  	s0 =	rddreg [dreg:$0x0];
	s2 =	stileid.u32  }
0xb7: {  	s1 =	rddreg [dreg:$0x1];
	p0 =	sne.s32 s2, $0x0  }
0xb8: {  	s3 =	rddreg [dreg:$0x2];
	[bflag:$0x3] =	sbarrier.arrive $0xFFFF;
	s2 =	simm.s32 @!p0 $0x1C06  }
0xb9: {  	[timem:s3], [sflag:s2] =	dma.local @!p0 [hbm:s0], s1  }
0xba: {  	s0 =	simm.s32 @!p0 $0x6  }
0xbb: {  	_ =	swait.ge @!p0 [sflag:s0], s1  }
0xbc: {  	s1 =	ssub.s32 @!p0 $0x0, s1;
	[sflag:s0] =	ssyncset.done @!p0 $0x0  }
0xbd: {  	[sflag:s0] =	ssyncadd.s32 @!p0 s1  }
0xbe: {  	[bflag:$0x3] =	sbarrier.arrive $0xFFFF  }
0xbf: {  	_ =	shalt  }

// kernel: kernel.13.cloned.1.call-start
scs
__scs_entry_jumppad:
0x0: {  	(pc) =	sbr.rel $0x88, $3  }
0x1: {  	(tag) =	ssettag $0x0;
	lr =	simm.s32 $0x1  }
0x2: {  	[smem:$0x3F98] =	sst lr;
	_ =	strace $0xD0000000  }
0x3: {  	_ = 	snop  }
0x4: {  	_ = 	snop  }
0x5: {  	_ = 	snop  }
0x6: {  	_ = 	snop  }
0x7: {  	_ = 	snop  }
__scs_overlays_trampoline_lowered:
0x8: {  	[smem:$0x3FA7] =	sst s0  }
0x9: {  	[smem:$0x3FA8] =	sst s1  }
0xa: {  	[smem:$0x3FA9] =	sst s2  }
0xb: {  	[smem:$0x3FAA] =	sst s3  }
0xc: {  	[smem:$0x3FAB] =	sst s4  }
0xd: {  	[smem:$0x3FAC] =	sst s5  }
0xe: {  	[smem:$0x3FAD] =	sst s6  }
0xf: {  	[smem:$0x3FAE] =	sst s7  }
0x10: {  	[smem:$0x3FAF] =	sst s8  }
0x11: {  	[smem:$0x3FB0] =	sst s9;
	s0 =	simm.s32 @!p0 $0x0  }
0x12: {  	s1 =	sld [smem:$0x3F96];
	s0 =	simm.s32 @p0 $0x1  }
0x13: {  	[smem:$0x3FB1] =	sst s0;
	s0 =	simm.s32 @!p1 $0x0  }
0x14: {  	s2 =	sld [smem:$0x3F95];
	s0 =	simm.s32 @p1 $0x1  }
0x15: {  	[smem:$0x3FB2] =	sst s0;
	s0 =	simm.s32 @!p2 $0x0  }
0x16: {  	s3 =	sld [smem:$0x3FDB];
	s0 =	simm.s32 @p2 $0x1  }
0x17: {  	s4 =	simm.s32 $0x1BF5;
	[smem:$0x3FB4] =	sst s0  }
0x18: {  	s0 =	sld [smem:$0x3F97];
	_ =	swait.ge [sflag:s4], $0x0  }
0x19: {  	s7 =	sld [smem:$0x3F98]  }
0x1a: {  	s8 =	sadd.s32 $0xFFFFE003, lr  }
0x1b: {  	s9 =	sadd.s32 $0xFFFFFEF7, lr;
	s5 =	simm.s32 $0xFFFFFFFF;
	p2 =	slt.u32 s8, $0xFFFFF086  }
0x1c: {  	p1 =	slt.u32 s9, $0xF7A;
	s5 =	simm.s32 @!p2 $0x0  }
0x1d: {  	s5 =	simm.s32 @p1 $0x1;
	p0 =	seq.s32 s7, s2  }
0x1e: {  	s7 =	smul.u32 @!p0 $0xF7A, s2;
	p2 =	seq.s32 @!p0 s5, $0x0  }
0x1f: {  	s9 =	smul.u32 $0xF7A, s1;
	s8 =	simm.s32 @!p0 $0x1BF5;
	p2 =	por !p2, p0  }
0x20: {  	[sflag:s8] =	ssyncset.s32 @!p0 $0xFFFFF086;
	s6 =	sadd.s32 @!p0 s3, s7;
	s7 =	simm.s32 @!p0 $0x108  }
0x21: {  	s3 =	sadd.s32 s3, s9;
	s6 =	sadd.s32 @!p0 $0x88, s6;
	s7 =	simm.s32 @p2 $0x1082  }
0x22: {  	[simem:s7], [sflag:s8] =	dma.local @!p0 [hbm:s6], $0xF7A  }
0x23: {  	s9 =	sor.u32 $0xD0000000, s2;
	s6 =	simm.s32 $0x108;
	_ =	swait.ge @!p0 [sflag:s8], $0x0  }
0x24: {  	s3 =	sadd.s32 $0x88, s3;
	s6 =	simm.s32 @!p1 $0x1082;
	[sflag:s4] =	ssyncset.s32 $0xFFFFF086  }
0x25: {  	[simem:s6], [sflag:s4] =	dma.local [hbm:s3], $0xF7A  }
0x26: {  	[smem:$0x3F98] =	sst s1;
	(tag) =	ssettag s2;
	_ =	strace s9  }
0x27: {  	s1 =	sld [smem:$0x3FA8]  }
0x28: {  	s2 =	sld [smem:$0x3FA9]  }
0x29: {  	s4 =	sld [smem:$0x3FAB]  }
0x2a: {  	p0 =	seq.s32 s5, $0x0;
	s5 =	sld [smem:$0x3FAC]  }
0x2b: {  	s6 =	sld [smem:$0x3FAD]  }
0x2c: {  	s7 =	sld [smem:$0x3FAE]  }
0x2d: {  	s3 =	simm.s32 $0x108;
	s8 =	sld [smem:$0x3FAF]  }
0x2e: {  	s3 =	simm.s32 @!p0 $0x1082;
	s9 =	sld [smem:$0x3FB0]  }
0x2f: {  	lr =	sadd.s32 s0, s3;
	s0 =	sld [smem:$0x3FA7]  }
0x30: {  	s3 =	sld [smem:$0x3FAA]  }
0x31: {  	[smem:$0x3FB3] =	sst s10  }
0x32: {  	s10 =	sld [smem:$0x3FB1];
	_ =	sdelay $0x3  }
0x33: {  	p0 =	seq.s32 s10, $0x1;
	s10 =	sld [smem:$0x3FB3];
	_ =	sdelay $0x3  }
0x34: {  	[smem:$0x3FB3] =	sst s10  }
0x35: {  	s10 =	sld [smem:$0x3FB2];
	_ =	sdelay $0x3  }
0x36: {  	p1 =	seq.s32 s10, $0x1;
	s10 =	sld [smem:$0x3FB3];
	_ =	sdelay $0x3  }
0x37: {  	[smem:$0x3FB3] =	sst s10  }
0x38: {  	s10 =	sld [smem:$0x3FB4]  }
0x39: {  	_ = 	snop;
	(pc) =	sbr.ind lr, $3  }
0x3a: {  	_ = 	snop  }
0x3b: {  	_ = 	snop  }
0x3c: {  	p2 =	seq.s32 s10, $0x1;
	s10 =	sld [smem:$0x3FB3]  }
0x3d: {  	_ =	shalt  }
0x3e: {  	_ =	shalt  }
0x3f: {  	_ =	shalt  }
0x40: {  	_ =	shalt  }
0x41: {  	_ =	shalt  }
0x42: {  	_ =	shalt  }
0x43: {  	_ =	shalt  }
0x44: {  	_ =	shalt  }
0x45: {  	_ =	shalt  }
0x46: {  	_ =	shalt  }
0x47: {  	_ =	shalt  }
0x48: {  	_ =	shalt  }
0x49: {  	_ =	shalt  }
0x4a: {  	_ =	shalt  }
0x4b: {  	_ =	shalt  }
0x4c: {  	_ =	shalt  }
0x4d: {  	_ =	shalt  }
0x4e: {  	_ =	shalt  }
0x4f: {  	_ =	shalt  }
0x50: {  	_ =	shalt  }
0x51: {  	_ =	shalt  }
0x52: {  	_ =	shalt  }
0x53: {  	_ =	shalt  }
0x54: {  	_ =	shalt  }
0x55: {  	_ =	shalt  }
0x56: {  	_ =	shalt  }
0x57: {  	_ =	shalt  }
0x58: {  	_ =	shalt  }
0x59: {  	_ =	shalt  }
0x5a: {  	_ =	shalt  }
0x5b: {  	_ =	shalt  }
0x5c: {  	_ =	shalt  }
0x5d: {  	_ =	shalt  }
0x5e: {  	_ =	shalt  }
0x5f: {  	_ =	shalt  }
0x60: {  	_ =	shalt  }
0x61: {  	_ =	shalt  }
0x62: {  	_ =	shalt  }
0x63: {  	_ =	shalt  }
0x64: {  	_ =	shalt  }
0x65: {  	_ =	shalt  }
0x66: {  	_ =	shalt  }
0x67: {  	_ =	shalt  }
0x68: {  	_ =	shalt  }
0x69: {  	_ =	shalt  }
0x6a: {  	_ =	shalt  }
0x6b: {  	_ =	shalt  }
0x6c: {  	_ =	shalt  }
0x6d: {  	_ =	shalt  }
0x6e: {  	_ =	shalt  }
0x6f: {  	_ =	shalt  }
0x70: {  	_ =	shalt  }
0x71: {  	_ =	shalt  }
0x72: {  	_ =	shalt  }
0x73: {  	_ =	shalt  }
0x74: {  	_ =	shalt  }
0x75: {  	_ =	shalt  }
0x76: {  	_ =	shalt  }
0x77: {  	_ =	shalt  }
0x78: {  	_ =	shalt  }
0x79: {  	_ =	shalt  }
0x7a: {  	_ =	shalt  }
0x7b: {  	_ =	shalt  }
0x7c: {  	_ =	shalt  }
0x7d: {  	_ =	shalt  }
0x7e: {  	_ =	shalt  }
0x7f: {  	_ =	shalt  }
0x80: {  	_ =	shalt  }
0x81: {  	_ =	shalt  }
0x82: {  	_ =	shalt  }
0x83: {  	_ =	shalt  }
0x84: {  	_ =	shalt  }
0x85: {  	_ =	shalt  }
0x86: {  	_ =	shalt  }
0x87: {  	_ =	shalt  }
.Lfunc_end0:
.L_simem_size_0:
called_computation.1_lowered:
.L_overlay_start_0:
0x88: {  	s2 =	sld [smem:$0x3FD9]  }
0x89: {  	s3 =	sld [smem:$0x3FFE];
	_ =	sdelay $0x1  }
0x8a: {  	s1 =	srdreg.scid  }
0x8b: {  	s0 =	sand.u32 $0x1, s1  }
0x8c: {  	s16 =	sshll.u32 s0, $0xA;
	s2 =	sadd.s32 s3, s2  }
0x8d: {  	s2 =	sadd.s32 s2, s16  }
0x8e: {  	[smem:$0x3FBF] =	sst s2  }
0x8f: {  	_ = 	snop  }
0x90: {  	(tm) =	ssettm $0x1  }
0x91: {  	s17 =	sld [smem:$0x3FFB];
	_ =	sdelay $0x3  }
0x92: {  	_ =	strace s17  }
0x93: {  	s2 =	sld [smem:$0x3FFC];
	_ =	sdelay $0x3  }
0x94: {  	_ =	strace s2  }
0x95: {  	s2 =	sld [smem:$0x3FFD];
	_ =	sdelay $0x3  }
0x96: {  	_ =	strace s2  }
0x97: {  	_ =	strace $0x8FFFFFFF  }
0x98: {  	s18 =	sld [smem:$0x3FDB];
	_ =	sdelay $0x1  }
0x99: {  	s19 =	simm.s32 $_scs_section_size  }
0x9a: {  	s4 =	simm.s32 $_size__tile_overlayer_lowered;
	s5 =	simm.s32 $_tile_overlayer_lowered  }
0x9b: {  	s22 =	simm.s32 $0x1BFF;
	s21 =	sshll.u32 s5, $0x1;
	s2 =	sadd.s32 s19, s18  }
0x9c: {  	s6 =	simm.s32 $0x0;
	s20 =	sshll.u32 s4, $0x1;
	s4 =	sadd.s32 s21, s2  }
0x9d: {  	[timem:s6], [sflag:s22] =	dma.local [hbm:s4], s20  }
0x9e: {  	_ =	swait.ge [sflag:s22], s20  }
0x9f: {  	s3 =	ssub.s32 $0x0, s20;
	[sflag:s22] =	ssyncset.done $0x0  }
0xa0: {  	[sflag:s22] =	ssyncadd.s32 s3;
	_ =	sdelay $0x1  }
0xa1: {  	s23 =	simm.s32 $0x1B8B  }
0xa2: {  	_ =	swait.ge [sflag:s23], $0x1  }
0xa3: {  	[sflag:s23] =	ssyncset.done $0x0  }
0xa4: {  	s25 =	simm.s32 $0x1B8E;
	s24 =	sld [smem:$0x3FFE];
	[sflag:s23] =	ssyncadd.s32 $0xFFFFFFFF  }
0xa5: {  	s26 =	simm.s32 $execute0_lowered;
	[smem:$0x3FD2] =	sst s25  }
0xa6: {  	s4 =	sshll.u32 s26, $0x1;
	_ =	strace $0x80000049;
	[dreg:$0x1] =	wrdreg $0xFFFFFFFF  }
0xa7: {  	s28 =	simm.s32 $_size_execute0_lowered;
	s2 =	sadd.s32 s2, s4;
	[dreg:$0x0] =	wrdreg $0x0  }
0xa8: {  	s4 =	sshll.u32 s28, $0x1;
	[dreg:$0x2] =	wrdreg s2  }
0xa9: {  	[dreg:$0x3] =	wrdreg s4  }
0xaa: {  	[dreg:$0x4] =	wrdreg $0xC0  }
0xab: {  	_ =	task [dreg:s6], $0x5FFFF  }
0xac: {  	[dreg:$0x1] =	wrdreg $0xFFFFFFFF  }
0xad: {  	[dreg:$0x0] =	wrdreg $0x60  }
0xae: {  	[dreg:$0x2] =	wrdreg s24  }
0xaf: {  	[dreg:$0x3] =	wrdreg $0x9  }
0xb0: {  	_ =	task.clear_ibuf [dreg:s6], $0x4FFFF;
	_ =	strace $0x90000049  }
0xb1: {  	s29 =	simm.s32 $0x9;
	_ =	strace $0x8000004B  }
0xb2: {  	_ =	swait.ge [sflag:s29], $0x1  }
0xb3: {  	[sflag:s29] =	ssyncadd.s32 $0xFFFFFFFF  }
0xb4: {  	_ =	strace $0x9000004B  }
0xb5: {  	_ =	sfence  }
0xb6: {  	s30 =	sld [smem:$0x0];
	_ =	sdelay $0x2  }
0xb7: {  	s31 =	sshll.u32 s1, $0xD;
	s1 =	sshrl.u32 s1, $0x2  }
0xb8: {  	s3 =	sand.u32 $0x4000, s31;
	s1 =	sadd.s32 s1, s30  }
0xb9: {  	s0 =	sor.u32 s3, s0;
	s1 =	sshll.u32 s1, $0x11  }
0xba: {  	s0 =	sor.u32 s1, s0  }
0xbb: {  	s0 =	sadd.s32 $0x8F2B, s0  }
0xbc: {  	[sflag:s0] =	ssyncadd.remote.s32 $0x1  }
0xbd: {  	_ =	sfence.sel $0xFFFF  }
0xbe: {  	[dreg:$0x0] =	wrdreg $0xFFFFFFFF;
	(pc) =	sbr.abs _section_cstart, $3  }
0xbf: {  	[dreg:$0x1] =	wrdreg $0xFFFFFFFF  }
0xc0: {  	_ =	task.clear_ibuf [dreg:s6], $0x2FFFF;
	_ =	strace $0x9FFFFFFF  }
0xc1: {  	(tm) =	ssettm $0x7FFFFFFF  }
tec
execute0_lowered:
.L_overlay_start_1:
0x0: {  	(tag) =	ssettag $0x1  }
0x1: {  	s6 =	rddreg [dreg:$0x0]  }
0x2: {  	s0 =	rddreg [dreg:$0x1];
	s2 =	simm.s32 $0x0;
	s3 =	srdreg.scid  }
0x3: {  	s1 =	stileid.u32;
	s11 =	simm.s32 $0x400;
	s12 =	simm.s32 $0x1  }
0x4: {  	s13 =	simm.s32 $0x28;
	s14 =	simm.s32 $0x800;
	s15 =	simm.s32 $0x880  }
0x5: {  	s16 =	simm.s32 $0x3;
	s17 =	simm.s32 $0x2;
	s18 =	simm.s32 $0x1C80  }
0x6: {  	s19 =	simm.s32 $0x4;
	s20 =	simm.s32 $0x0;
	[smem:$0x7FF] =	sst s2  }
0x7: {  	s5 =	sand.u32 $0x1, s3;
	s7 =	sshll.u32 s1, $0x9;
	s3 =	sadd.s32 $0x22A00, s6  }
0x8: {  	_ =	strace $0x8000004A;
	s4 =	sshll.u32 s5, $0x8;
	s8 =	ssub.s32 $0x2, s5  }
0x9: {  	s5 =	sadd.s32 $0x2A00, s6;
	s4 =	sor.u32 s4, s7;
	s10 =	sshrl.u32 s8, $0x1  }
0xa: {  	s9 =	sshll.u32 s4, $0x5;
	s10 =	ssub.s32 s8, s10;
	s31 =	sshll.u32 s4, $0x7  }
0xb: {  	s9 =	sadd.s32 s9, s6;
	s6 =	sand.u32 $0x1C00, s7;
	s7 =	sadd.s32 s3, s31  }
0xc: {  	v0 =	vlaneseq.u32;
	v1 =	vimm.s32 $0x0;
	s8 =	sadd.s32 $0x122A00, s9;
	s9 =	smax.u32 s10, $0x1;
	s10 =	simm.s32 $0x80  }
.LBB2_1:
0xd: {  	[tilespmem:s2], [sflag:$0x1] =	stream.strided.gather [hbm4b:s7+s10], $0x400, s11, s10, $0x38;
	[tilespmem:$0x11C80] =	vst v63  }
0xe: {  	s21 =	simm.s32 $0x0  }
.LBB2_2:
0xf: {  	s22 =	sshll.u32 s21, $0x1  }
0x10: {  	s23 =	sshll.u32 s21, $0x5;
	s22 =	sadd.s32 s4, s22  }
0x11: {  	s23 =	sand.u32 $0x60, s23;
	s24 =	sshll.u32 s22, $0x7  }
0x12: {  	_ =	swait.ge [sflag:s12], $0x400;
	s23 =	sadd.s32 s23, s3;
	s24 =	sand.u32 $0xFFC00, s24  }
0x13: {  	[sflag:s12] =	ssyncset.done $0x0;
	s23 =	sadd.s32 s24, s23  }
0x14: {  	s31 =	simm.s32 $0x0;
	[sflag:s12] =	ssyncadd.s32 $0xFFFFFC00;
	s23 =	sadd.s32 $0x10, s23  }
0x15: {  	[tilespmem:s11], [sflag:$0x2] =	stream.strided.gather [hbm4b:s23+s10], $0x400, s11, s10, $0x38;
	[tilespmem:$0x11C80] =	vst v63  }
0x16: {  	v2 =	vld [tilespmem:s31+$0x0];
	_ =	sdelay $0x4  }
0x17: {  	vm0 =	vgt.f32 v2, $0.0e+00  }
0x18: {  	v2 =	vsel vm0, $0x1, v1  }
0x19: {  	(xrf0) =	vadd.scan.msk.s32 $0xffff, v2;
	_ =	sdelay $0x5  }
0x1a: {  	v3, _, _ =	vpop (xrf0)  }
0x1b: {  	s23 =	simm.s32 $0x0;
	v2 =	vor.u32 s6, v0;
	(v2sf) =	vpush v3, $0xF  }
0x1c: {  	s26 =	simm.s32 $0x10;
	s25 =	simm.s32 $0x80;
	s24 =	smov.u32 s6;
	[tilespmem:s23+$0x800] =	vst.msk vm0, v2  }
.LBB2_3:
0x1d: {  	p0 =	seq.s32 s25, $0xFC0;
	v3 =	vld [tilespmem:s26+$0x0];
	_ =	sdelay $0x4  }
0x1e: {  	vm0 =	vgt.f32 v3, $0.0e+00  }
0x1f: {  	v3 =	vsel vm0, $0x1, v1  }
0x20: {  	(xrf0) =	vadd.scan.msk.s32 $0xffff, v3;
	_ =	sdelay $0x3  }
.Ltmp0:
0x21: {  	(pc) =	sbr.rel @!p0 .LBB2_3-.Ltmp0, $4  }
0x22: {  	_ = 	snop  }
0x23: {  	s24 =	sadd.s32 $0x10, s24;
	v3, _, _ =	vpop (xrf0);
	s26 =	spop (v2sf)  }
0x24: {  	v4 =	vor.u32 s24, v0;
	(v2sf) =	vpush v3, $0xF;
	s23 =	sadd.s32 s23, s26  }
0x25: {  	s26 =	sshra.s32 s25, $0x2;
	s25 =	sadd.s32 $0x40, s25;
	[tilespmem:s23+$0x800] =	vst.msk vm0, v4  }
0x26: {  	v3 =	vld [tilespmem:s26+$0x0];
	_ =	sdelay $0x4  }
0x27: {  	vm0 =	vgt.f32 v3, $0.0e+00  }
0x28: {  	v3 =	vsel vm0, $0x1, v1  }
0x29: {  	(xrf0) =	vadd.scan.msk.s32 $0xffff, v3;
	_ =	sdelay $0x5  }
0x2a: {  	v3, _, _ =	vpop (xrf0)  }
0x2b: {  	(v2sf) =	vpush v3, $0xF;
	_ =	sdelay $0xd  }
0x2c: {  	s24 =	sadd.s32 $0x10, s24;
	s25 =	spop (v2sf)  }
0x2d: {  	v3 =	vor.u32 s24, v0;
	s23 =	sadd.s32 s23, s25;
	s31 =	spop (v2sf)  }
0x2e: {  	[tilespmem:s23+$0x800] =	vst.msk vm0, v3;
	s23 =	sadd.s32 s23, s31  }
0x2f: {  	p0 =	slt.s32 s23, $0x28  }
.Ltmp1:
0x30: {  	_ = 	snop;
	(pc) =	sbr.rel @!p0 .LBB2_6-.Ltmp1, $2  }
0x31: {  	_ =	sdelay $0x2  }
0x32: {  	s26 =	simm.s32 $0x0;
	s24 =	simm.s32 $0x0;
	s25 =	smov.u32 s6  }
.LBB2_5:
0x33: {  	v3 =	vld [tilespmem:s24+$0x0];
	_ =	sdelay $0x4  }
0x34: {  	vm0 =	veq.f32 v3, $0.0e+00  }
0x35: {  	v3 =	vsel vm0, $0x1, v1  }
0x36: {  	(xrf0) =	vadd.scan.msk.s32 $0xffff, v3;
	_ =	sdelay $0x2  }
0x37: {  	v3 =	vmov s23  }
0x38: {  	v3 =	vadd.s32 $0xFFFFFFFF, v3  }
0x39: {  	v3 =	vbroadcast v3, $0x0  }
0x3a: {  	v4, _, _ =	vpop (xrf0)  }
0x3b: {  	v3 =	vadd.s32 v4, v3  }
0x3c: {  	vm1 =	vlt.s32 v3, $0x28  }
0x3d: {  	vm0 =	vmand vm0, vm1  }
0x3e: {  	v3 =	vsel vm0, $0x1, v1  }
0x3f: {  	(xrf0) =	vadd.scan.msk.s32 $0xffff, v3;
	_ =	sdelay $0x5  }
0x40: {  	v3, _, _ =	vpop (xrf0)  }
0x41: {  	(v2sf) =	vpush v3, $0xF;
	_ =	sdelay $0xe  }
0x42: {  	v3 =	vor.u32 s25, v0;
	s28 =	spop (v2sf)  }
0x43: {  	p0 =	sgt.u32 s26, $0x3E;
	[tilespmem:s23+$0x800] =	vst.msk vm0, v3;
	s23 =	sadd.s32 s23, s28  }
0x44: {  	p1 =	slt.s32 @!p0 s23, $0x28  }
0x45: {  	p0 =	por p0, !p1  }
.Ltmp2:
0x46: {  	_ = 	snop;
	(pc) =	sbr.rel @!p0 .LBB2_5-.Ltmp2, $2  }
0x47: {  	_ =	sdelay $0x2  }
0x48: {  	s26 =	sadd.s32 $0x1, s26;
	s24 =	sadd.s32 $0x10, s24;
	s25 =	sadd.s32 $0x10, s25  }
.LBB2_6:
0x49: {  	[tilespmem:s15], [sflag:$0x3] =	stream.indirect.gather [hbm4b:s5+s13], $0x80, s14, s13, $0xb8;
	[tilespmem:$0x11C80] =	vst v63  }
0x4a: {  	_ =	swait.ge [sflag:s16], $0x1400  }
0x4b: {  	[sflag:s16] =	ssyncset.done $0x0  }
0x4c: {  	s23 =	simm.s32 $0x0;
	[sflag:s16] =	ssyncadd.s32 $0xFFFFEC00  }
0x4d: {  	v5 =	vld [tilespmem:s23+$0x8B0]  }
0x4e: {  	v9 =	vimm.f32 $-Inf;
	v10 =	vimm.f32 $+Inf;
	v21 =	vimm.f32 $0.0e+00;
	v22 =	vld [tilespmem:s23+$0x880]  }
0x4f: {  	v6 =	vimm.f32 $0.0e+00;
	v23 =	vimm.f32 $0.0e+00;
	v16 =	vimm.f32 $0.0e+00;
	v18 =	vld [tilespmem:s23+$0x890]  }
0x50: {  	v17 =	vimm.f32 $0.0e+00;
	v11 =	vimm.f32 $-Inf;
	v12 =	vimm.f32 $+Inf;
	v15 =	vld [tilespmem:s23+$0x8A0]  }
0x51: {  	v13 =	vimm.f32 $0.0e+00;
	v14 =	vimm.f32 $0.0e+00;
	v7 =	vimm.f32 $0.0e+00  }
0x52: {  	v4 =	vmax.f32 v9, v5;
	v3 =	vmin.f32 v10, v5;
	v8 =	vmul.f32 v5, v5  }
0x53: {  	s24 =	simm.s32 $0x80;
	s23 =	simm.s32 $0x400;
	v20 =	vmax.f32 v9, v22;
	v19 =	vmin.f32 v10, v22;
	v24 =	vmul.f32 v22, v22  }
.LBB2_7:
0x54: {  	p0 =	sne.s32 s23, $0x4E00;
	v25 =	vld [tilespmem:s24+$0x8B0];
	v21 =	vadd.f32 v22, v21;
	v26 =	vmul.f32 v18, v18;
	v6 =	vadd.f32 v8, v6  }
0x55: {  	v9 =	vmax.f32 v9, v18;
	v22 =	vld [tilespmem:s24+$0x880];
	v23 =	vadd.f32 v24, v23;
	v8 =	vmul.f32 v15, v15;
	v24 =	vmovc v15  }
.Ltmp3:
0x56: {  	v10 =	vmin.f32 v10, v18;
	v16 =	vadd.f32 v18, v16;
	v18 =	vld [tilespmem:s24+$0x890];
	v17 =	vadd.f32 v26, v17;
	(pc) =	sbr.rel @p0 .LBB2_7-.Ltmp3, $4  }
0x57: {  	v11 =	vmax.f32 v11, v24;
	v12 =	vmin.f32 v12, v24;
	v15 =	vld [tilespmem:s24+$0x8A0];
	v13 =	vadd.f32 v8, v13  }
0x58: {  	v7 =	vadd.f32 v5, v7;
	v14 =	vadd.f32 v24, v14  }
0x59: {  	v4 =	vmax.f32 v4, v25;
	v3 =	vmin.f32 v3, v25;
	v8 =	vmul.f32 v25, v25;
	v5 =	vmovc v25  }
0x5a: {  	s24 =	sshra.s32 s23, $0x2;
	s23 =	sadd.s32 $0x200, s23;
	v20 =	vmax.f32 v20, v22;
	v19 =	vmin.f32 v19, v22;
	v24 =	vmul.f32 v22, v22  }
0x5b: {  	v25 =	vld [tilespmem:s24+$0x880];
	_ =	sdelay $0x1  }
0x5c: {  	v53 =	vld [tilespmem:s24+$0x890]  }
0x5d: {  	s23 =	sshll.u32 s21, $0x9;
	s25 =	sshll.u32 s21, $0x8  }
0x5e: {  	v27 =	vld [tilespmem:s24+$0x8A0];
	s23 =	sand.u32 $0xF800, s23;
	s25 =	sand.u32 $0x300, s25  }
0x5f: {  	v26 =	vld [tilespmem:s24+$0x8B0];
	s29 =	sor.u32 s25, s23;
	v20 =	vmax.f32 v20, v25  }
0x60: {  	v9 =	vmax.f32 v9, v18;
	v19 =	vmin.f32 v19, v25;
	[tilespmem:s29+$0x1C80] =	vst v20  }
0x61: {  	v10 =	vmin.f32 v10, v18;
	v9 =	vmax.f32 v9, v53;
	[tilespmem:s29+$0x1CC0] =	vst v19  }
0x62: {  	v59 =	vmin.f32 v12, v15;
	v10 =	vmin.f32 v10, v53;
	[tilespmem:s29+$0x1C90] =	vst v9  }
0x63: {  	v21 =	vadd.f32 v22, v21;
	v58 =	vmax.f32 v11, v15;
	v11 =	vmin.f32 v59, v27;
	[tilespmem:s29+$0x1CD0] =	vst v10  }
0x64: {  	v16 =	vadd.f32 v18, v16;
	v4 =	vmax.f32 v4, v26;
	[tilespmem:s29+$0x1CE0] =	vst v11  }
0x65: {  	v21 =	vadd.f32 v25, v21;
	v3 =	vmin.f32 v3, v26;
	[tilespmem:s29+$0x1CB0] =	vst v4  }
0x66: {  	v55 =	vmul.f32 v18, v18;
	v60 =	vadd.f32 v15, v14;
	v16 =	vadd.f32 v53, v16;
	[tilespmem:s29+$0x1CF0] =	vst v3  }
0x67: {  	v5 =	vadd.f32 v5, v7;
	v23 =	vadd.f32 v24, v23;
	v57 =	vmul.f32 v15, v15;
	[tilespmem:s29+$0x2080] =	vst v21  }
0x68: {  	v54 =	vmul.f32 v25, v25;
	v12 =	vadd.f32 v27, v60;
	v10 =	vmax.f32 v58, v27;
	[tilespmem:s29+$0x2090] =	vst v16  }
0x69: {  	v17 =	vadd.f32 v55, v17;
	v56 =	vmul.f32 v53, v53;
	v5 =	vadd.f32 v26, v5;
	[tilespmem:s29+$0x1CA0] =	vst v10  }
0x6a: {  	v6 =	vadd.f32 v8, v6;
	v62 =	vmul.f32 v26, v26;
	v23 =	vadd.f32 v54, v23;
	[tilespmem:s29+$0x20A0] =	vst v12  }
0x6b: {  	v61 =	vmul.f32 v27, v27;
	v9 =	vadd.f32 v57, v13;
	v17 =	vadd.f32 v56, v17;
	[tilespmem:s29+$0x20B0] =	vst v5  }
0x6c: {  	v63 =	vadd.f32 v62, v6;
	[tilespmem:s29+$0x20C0] =	vst v23  }
0x6d: {  	s22 =	smin.u32 s22, $0x1FFD;
	v9 =	vadd.f32 v61, v9;
	[tilespmem:s29+$0x20D0] =	vst v17  }
0x6e: {  	s22 =	sadd.s32 $0x2, s22;
	[tilespmem:s29+$0x20F0] =	vst v63  }
0x6f: {  	s31 =	simm.s32 $0x0;
	s30 =	sshll.u32 s22, $0x4;
	[tilespmem:s29+$0x20E0] =	vst v9  }
0x70: {  	s22 =	sshll.u32 s22, $0x7;
	s23 =	sand.u32 $0x70, s30;
	_ =	swait.ge [sflag:s17], $0x400  }
0x71: {  	s22 =	sand.u32 $0x1FFC00, s22;
	s23 =	sadd.s32 s3, s23;
	[sflag:s17] =	ssyncset.done $0x0  }
0x72: {  	s22 =	sadd.s32 s22, s23;
	s23 =	simm.s32 $0x0;
	[sflag:s17] =	ssyncadd.s32 $0xFFFFFC00  }
0x73: {  	[tilespmem:s23], [sflag:$0x1] =	stream.strided.gather [hbm4b:s22+s10], $0x400, s11, s10, $0x38;
	[tilespmem:$0x11C80] =	vst v63  }
0x74: {  	v3 =	vld [tilespmem:s31+$0x400];
	_ =	sdelay $0x4  }
0x75: {  	vm0 =	vgt.f32 v3, $0.0e+00  }
0x76: {  	v3 =	vsel vm0, $0x1, v1  }
0x77: {  	(xrf0) =	vadd.scan.msk.s32 $0xffff, v3;
	_ =	sdelay $0x5  }
0x78: {  	v3, _, _ =	vpop (xrf0)  }
0x79: {  	s26 =	simm.s32 $0x10;
	(v2sf) =	vpush v3, $0xF  }
0x7a: {  	s24 =	smov.u32 s6;
	s25 =	simm.s32 $0x80;
	s22 =	sadd.s32 $0x1C80, s29;
	[tilespmem:s23+$0x800] =	vst.msk vm0, v2  }
.LBB2_9:
0x7b: {  	p0 =	seq.s32 s25, $0xFC0;
	v2 =	vld [tilespmem:s26+$0x400];
	_ =	sdelay $0x4  }
0x7c: {  	vm0 =	vgt.f32 v2, $0.0e+00  }
0x7d: {  	v2 =	vsel vm0, $0x1, v1  }
0x7e: {  	(xrf0) =	vadd.scan.msk.s32 $0xffff, v2;
	_ =	sdelay $0x3  }
.Ltmp4:
0x7f: {  	(pc) =	sbr.rel @!p0 .LBB2_9-.Ltmp4, $4  }
0x80: {  	_ = 	snop  }
0x81: {  	s24 =	sadd.s32 $0x10, s24;
	v2, _, _ =	vpop (xrf0);
	s26 =	spop (v2sf)  }
0x82: {  	v3 =	vor.u32 s24, v0;
	(v2sf) =	vpush v2, $0xF;
	s23 =	sadd.s32 s23, s26  }
0x83: {  	s26 =	sshra.s32 s25, $0x2;
	s25 =	sadd.s32 $0x40, s25;
	[tilespmem:s23+$0x800] =	vst.msk vm0, v3  }
0x84: {  	v2 =	vld [tilespmem:s26+$0x400];
	_ =	sdelay $0x4  }
0x85: {  	vm0 =	vgt.f32 v2, $0.0e+00  }
0x86: {  	v2 =	vsel vm0, $0x1, v1  }
0x87: {  	(xrf0) =	vadd.scan.msk.s32 $0xffff, v2;
	_ =	sdelay $0x5  }
0x88: {  	v2, _, _ =	vpop (xrf0)  }
0x89: {  	(v2sf) =	vpush v2, $0xF;
	_ =	sdelay $0xd  }
0x8a: {  	s24 =	sadd.s32 $0x10, s24;
	s25 =	spop (v2sf)  }
0x8b: {  	v2 =	vor.u32 s24, v0;
	s23 =	sadd.s32 s23, s25;
	s31 =	spop (v2sf)  }
0x8c: {  	[tilespmem:s23+$0x800] =	vst.msk vm0, v2;
	s23 =	sadd.s32 s23, s31  }
0x8d: {  	p0 =	slt.s32 s23, $0x28  }
.Ltmp5:
0x8e: {  	_ = 	snop;
	(pc) =	sbr.rel @!p0 .LBB2_13-.Ltmp5, $1  }
0x8f: {  	_ =	sdelay $0x3  }
0x90: {  	s26 =	simm.s32 $0x0;
	s24 =	simm.s32 $0x400;
	s25 =	smov.u32 s6  }
.LBB2_12:
0x91: {  	v2 =	vld [tilespmem:s24+$0x0];
	_ =	sdelay $0x4  }
0x92: {  	vm0 =	veq.f32 v2, $0.0e+00  }
0x93: {  	v2 =	vsel vm0, $0x1, v1  }
0x94: {  	(xrf0) =	vadd.scan.msk.s32 $0xffff, v2;
	_ =	sdelay $0x2  }
0x95: {  	v2 =	vmov s23  }
0x96: {  	v2 =	vadd.s32 $0xFFFFFFFF, v2  }
0x97: {  	v2 =	vbroadcast v2, $0x0  }
0x98: {  	v3, _, _ =	vpop (xrf0)  }
0x99: {  	v2 =	vadd.s32 v3, v2  }
0x9a: {  	vm1 =	vlt.s32 v2, $0x28  }
0x9b: {  	vm0 =	vmand vm0, vm1  }
0x9c: {  	v2 =	vsel vm0, $0x1, v1  }
0x9d: {  	(xrf0) =	vadd.scan.msk.s32 $0xffff, v2;
	_ =	sdelay $0x5  }
0x9e: {  	v2, _, _ =	vpop (xrf0)  }
0x9f: {  	(v2sf) =	vpush v2, $0xF;
	_ =	sdelay $0xe  }
0xa0: {  	v2 =	vor.u32 s25, v0;
	s28 =	spop (v2sf)  }
0xa1: {  	p0 =	sgt.u32 s26, $0x3E;
	[tilespmem:s23+$0x800] =	vst.msk vm0, v2;
	s23 =	sadd.s32 s23, s28  }
0xa2: {  	p1 =	slt.s32 @!p0 s23, $0x28  }
0xa3: {  	p0 =	por p0, !p1  }
.Ltmp6:
0xa4: {  	_ = 	snop;
	(pc) =	sbr.rel @!p0 .LBB2_12-.Ltmp6, $2  }
0xa5: {  	_ =	sdelay $0x2  }
0xa6: {  	s26 =	sadd.s32 $0x1, s26;
	s24 =	sadd.s32 $0x10, s24;
	s25 =	sadd.s32 $0x10, s25  }
.LBB2_13:
0xa7: {  	[tilespmem:s15], [sflag:$0x3] =	stream.indirect.gather [hbm4b:s5+s13], $0x80, s14, s13, $0xb8;
	[tilespmem:$0x11C80] =	vst v63  }
0xa8: {  	_ =	swait.ge [sflag:s16], $0x1400  }
0xa9: {  	[sflag:s16] =	ssyncset.done $0x0  }
0xaa: {  	s23 =	simm.s32 $0x0;
	[sflag:s16] =	ssyncadd.s32 $0xFFFFEC00  }
0xab: {  	v4 =	vld [tilespmem:s23+$0x8B0]  }
0xac: {  	v8 =	vimm.f32 $-Inf;
	v9 =	vimm.f32 $+Inf;
	v19 =	vimm.f32 $0.0e+00;
	v21 =	vld [tilespmem:s23+$0x880]  }
0xad: {  	v5 =	vimm.f32 $0.0e+00;
	v22 =	vimm.f32 $0.0e+00;
	v15 =	vimm.f32 $0.0e+00;
	v17 =	vld [tilespmem:s23+$0x890]  }
0xae: {  	v16 =	vimm.f32 $0.0e+00;
	v10 =	vimm.f32 $-Inf;
	v11 =	vimm.f32 $+Inf;
	v14 =	vld [tilespmem:s23+$0x8A0]  }
0xaf: {  	v12 =	vimm.f32 $0.0e+00;
	v13 =	vimm.f32 $0.0e+00;
	v6 =	vimm.f32 $0.0e+00  }
0xb0: {  	v3 =	vmax.f32 v8, v4;
	v2 =	vmin.f32 v9, v4;
	v7 =	vmul.f32 v4, v4  }
0xb1: {  	s24 =	simm.s32 $0x80;
	s23 =	simm.s32 $0x400;
	v20 =	vmax.f32 v8, v21;
	v18 =	vmin.f32 v9, v21;
	v23 =	vmul.f32 v21, v21  }
.LBB2_14:
0xb2: {  	p0 =	sne.s32 s23, $0x4E00;
	v24 =	vld [tilespmem:s24+$0x8B0];
	v19 =	vadd.f32 v21, v19;
	v25 =	vmul.f32 v17, v17;
	v5 =	vadd.f32 v7, v5  }
0xb3: {  	v8 =	vmax.f32 v8, v17;
	v21 =	vld [tilespmem:s24+$0x880];
	v22 =	vadd.f32 v23, v22;
	v7 =	vmul.f32 v14, v14;
	v23 =	vmovc v14  }
.Ltmp7:
0xb4: {  	v9 =	vmin.f32 v9, v17;
	v15 =	vadd.f32 v17, v15;
	v17 =	vld [tilespmem:s24+$0x890];
	v16 =	vadd.f32 v25, v16;
	(pc) =	sbr.rel @p0 .LBB2_14-.Ltmp7, $4  }
0xb5: {  	v10 =	vmax.f32 v10, v23;
	v11 =	vmin.f32 v11, v23;
	v14 =	vld [tilespmem:s24+$0x8A0];
	v12 =	vadd.f32 v7, v12  }
0xb6: {  	v6 =	vadd.f32 v4, v6;
	v13 =	vadd.f32 v23, v13  }
0xb7: {  	v3 =	vmax.f32 v3, v24;
	v2 =	vmin.f32 v2, v24;
	v7 =	vmul.f32 v24, v24;
	v4 =	vmovc v24  }
0xb8: {  	s24 =	sshra.s32 s23, $0x2;
	s23 =	sadd.s32 $0x200, s23;
	v20 =	vmax.f32 v20, v21;
	v18 =	vmin.f32 v18, v21;
	v23 =	vmul.f32 v21, v21  }
0xb9: {  	v24 =	vld [tilespmem:s24+$0x880];
	_ =	sdelay $0x1  }
0xba: {  	v54 =	vld [tilespmem:s24+$0x890];
	_ =	sdelay $0x1  }
0xbb: {  	v55 =	vld [tilespmem:s24+$0x8A0]  }
0xbc: {  	v25 =	vld [tilespmem:s24+$0x8B0];
	v20 =	vmax.f32 v20, v24  }
0xbd: {  	v8 =	vmax.f32 v8, v17;
	v18 =	vmin.f32 v18, v24;
	[tilespmem:s22+$0x80] =	vst v20  }
0xbe: {  	v9 =	vmin.f32 v9, v17;
	v8 =	vmax.f32 v8, v54;
	[tilespmem:s22+$0xC0] =	vst v18  }
0xbf: {  	v60 =	vmin.f32 v11, v14;
	v9 =	vmin.f32 v9, v54;
	[tilespmem:s22+$0x90] =	vst v8  }
0xc0: {  	v19 =	vadd.f32 v21, v19;
	v59 =	vmax.f32 v10, v14;
	v10 =	vmin.f32 v60, v55;
	[tilespmem:s22+$0xD0] =	vst v9  }
0xc1: {  	v15 =	vadd.f32 v17, v15;
	v3 =	vmax.f32 v3, v25;
	[tilespmem:s22+$0xE0] =	vst v10  }
0xc2: {  	v19 =	vadd.f32 v24, v19;
	v2 =	vmin.f32 v2, v25;
	[tilespmem:s22+$0xB0] =	vst v3  }
0xc3: {  	v56 =	vmul.f32 v17, v17;
	v61 =	vadd.f32 v14, v13;
	v15 =	vadd.f32 v54, v15;
	[tilespmem:s22+$0xF0] =	vst v2  }
0xc4: {  	v4 =	vadd.f32 v4, v6;
	v22 =	vadd.f32 v23, v22;
	v58 =	vmul.f32 v14, v14;
	[tilespmem:s22+$0x480] =	vst v19  }
0xc5: {  	v26 =	vmul.f32 v24, v24;
	v11 =	vadd.f32 v55, v61;
	v9 =	vmax.f32 v59, v55;
	[tilespmem:s22+$0x490] =	vst v15  }
0xc6: {  	s21 =	sadd.s32 $0x1, s21;
	v16 =	vadd.f32 v56, v16;
	v57 =	vmul.f32 v54, v54;
	v4 =	vadd.f32 v25, v4;
	[tilespmem:s22+$0xA0] =	vst v9  }
0xc7: {  	v5 =	vadd.f32 v7, v5;
	p0 =	sne.s32 s21, $0x80;
	v63 =	vmul.f32 v25, v25;
	v22 =	vadd.f32 v26, v22;
	[tilespmem:s22+$0x4A0] =	vst v11  }
.Ltmp8:
0xc8: {  	v62 =	vmul.f32 v55, v55;
	v8 =	vadd.f32 v58, v12;
	v16 =	vadd.f32 v57, v16;
	[tilespmem:s22+$0x4B0] =	vst v4;
	(pc) =	sbr.rel @p0 .LBB2_2-.Ltmp8, $4  }
0xc9: {  	v3 =	vadd.f32 v63, v5;
	[tilespmem:s22+$0x4C0] =	vst v22  }
0xca: {  	v8 =	vadd.f32 v62, v8;
	[tilespmem:s22+$0x4D0] =	vst v16  }
0xcb: {  	[tilespmem:s22+$0x4F0] =	vst v3  }
0xcc: {  	[tilespmem:s22+$0x4E0] =	vst v8  }
0xcd: {  	_ =	swait.ge [sflag:s12], $0x400;
	s20 =	sadd.s32 $0x1, s20  }
0xce: {  	[sflag:s12] =	ssyncset.done $0x0;
	p0 =	sne.s32 s20, s9  }
.Ltmp9:
0xcf: {  	[sflag:s12] =	ssyncadd.s32 $0xFFFFFC00;
	(pc) =	sbr.rel @p0 .LBB2_1-.Ltmp9, $4  }
0xd0: {  	[hbm4b:s8+s2] =	stream.linear.scatter [tilespmem:s18], [sflag:$0x4], $0x10000, $0x38;
	[tilespmem:$0x11C80] =	vst v63  }
0xd1: {  	_ =	swait.ge [sflag:s19], $0x10000  }
0xd2: {  	[sflag:s19] =	ssyncset.done $0x0  }
0xd3: {  	[sflag:s19] =	ssyncadd.s32 $0xFFFF0000  }
0xd4: {  	_ =	sfence.sel $0x180000  }
0xd5: {  	[bflag:$0x0] =	sbarrier.arrive $0xFFFF  }
0xd6: {  	p0 =	sne.s32 s1, $0x0;
	_ =	strace $0x9000004A  }
0xd7: {  	s0 =	sadd.s32 @!p0 $0x100000, s0;
	[bflag:$0x2] =	sbarrier.arrive $0xFFFF  }
0xd8: {  	[sflag:s0] =	ssyncadd.tile.s32 @!p0 $0x1;
	_ =	shalt  }
.Lfunc_end2:
_tile_overlayer_lowered:
.L_overlay_start_2:
0xd9: {  	(tag) =	ssettag $0x2  }
0xda: {  	s0 =	rddreg [dreg:$0x0];
	s2 =	stileid.u32  }
0xdb: {  	s1 =	rddreg [dreg:$0x1];
	p0 =	sne.s32 s2, $0x0  }
0xdc: {  	s3 =	rddreg [dreg:$0x2];
	[bflag:$0x3] =	sbarrier.arrive $0xFFFF;
	s2 =	simm.s32 @!p0 $0x1C04  }
0xdd: {  	[timem:s3], [sflag:s2] =	dma.local @!p0 [hbm:s0], s1  }
0xde: {  	s0 =	simm.s32 @!p0 $0x4  }
0xdf: {  	_ =	swait.ge @!p0 [sflag:s0], s1  }
0xe0: {  	s1 =	ssub.s32 @!p0 $0x0, s1;
	[sflag:s0] =	ssyncset.done @!p0 $0x0  }
0xe1: {  	[sflag:s0] =	ssyncadd.s32 @!p0 s1  }
0xe2: {  	[bflag:$0x3] =	sbarrier.arrive $0xFFFF  }
0xe3: {  	_ =	shalt  }

</sc_bundles>
